<compile_context>
chip_gen: v7x
topology: tpu7x:2x2x1
jax: 0.10.2.dev20260603
libtpu: 0.0.44.dev20260713+nightly
codegen_flags: <defaults>
</compile_context>

<pallas_src>
import functools

import jax
import jax.numpy as jnp
from jax import lax
from jax.experimental import pallas as pl
from jax.experimental.pallas import tpu as pltpu
from jax.experimental.pallas import tpu_sc as plsc

N = 100000
E = 1600000
G = 64
NPAD = 100352
NC, NS = 2, 16
RPT = NPAD // NS
TB = 12544
NB = NPAD // TB

_MESH = dict(core_axis_name="c", subcore_axis_name="s",
             num_cores=NC, num_subcores=NS)
_SC_PARAMS = pltpu.CompilerParams(use_tc_tiling_on_sc=False)
_TC_PARAMS = pltpu.CompilerParams(vmem_limit_bytes=110 * 1024 * 1024)


def _sc_deg(ei):
    ck = 2000
    ept = E // (NC * NS)
    nch = ept // ck

    @functools.partial(
        pl.kernel,
        out_type=jax.ShapeDtypeStruct((NC, NPAD), jnp.float32),
        mesh=plsc.VectorSubcoreMesh(**_MESH),
        compiler_params=_SC_PARAMS,
        scratch_types=[
            pltpu.VMEM((ck,), jnp.int32),
            pltpu.VMEM((ck,), jnp.int32),
            pltpu.VMEM((ck,), jnp.float32),
            pltpu.VMEM((784,), jnp.float32),
            pltpu.VMEM_SHARED((NPAD,), jnp.float32),
            pltpu.SemaphoreType.DMA,
            pltpu.SemaphoreType.DMA,
        ],
    )
    def k(ei_hbm, out_hbm, dst0_v, dst1_v, ones_v, zb_v, acc_sh, s0, s1):
        c = lax.axis_index("c")
        s = lax.axis_index("s")
        r0 = s * RPT
        dbuf = (dst0_v, dst1_v)
        sem = (s0, s1)

        def fill(i, carry):
            ones_v[pl.ds(i * 16, 16)] = jnp.ones((16,), jnp.float32)
            return carry

        lax.fori_loop(0, ck // 16, fill, 0)

        def zfill(i, carry):
            zb_v[pl.ds(i * 16, 16)] = jnp.zeros((16,), jnp.float32)
            return carry

        lax.fori_loop(0, 784 // 16, zfill, 0)

        def zcp(i, carry):
            pltpu.sync_copy(zb_v, acc_sh.at[pl.ds(r0 + i * 784, 784)])
            return carry

        lax.fori_loop(0, RPT // 784, zcp, 0)
        plsc.subcore_barrier()

        def idx(j, b):
            base = (c * NS + s) * ept + j * ck
            pltpu.sync_copy(ei_hbm.at[1, pl.ds(base, ck)], dbuf[b])

        def sstart(b):
            pltpu.async_copy(ones_v, acc_sh.at[dbuf[b]], sem[b], add=True)

        def swait(b):
            pltpu.make_async_copy(ones_v, acc_sh.at[dbuf[b]], sem[b]).wait()

        idx(0, 0)

        def body(j2, carry):
            e = 2 * j2
            idx(e + 1, 1)
            sstart(0)
            swait(0)

            @pl.when(e + 2 < nch)
            def _():
                idx(e + 2, 0)

            sstart(1)
            swait(1)
            return carry

        lax.fori_loop(0, nch // 2, body, 0)
        if nch % 2 == 1:
            sstart(0)
            swait(0)
        plsc.subcore_barrier()
        pltpu.sync_copy(acc_sh.at[pl.ds(r0, RPT)],
                        out_hbm.at[c, pl.ds(r0, RPT)])

    return k(ei)


def _sc_conv(y, ei, zrows, F, split_edges, ck):
    if split_edges:
        ept = E // (NC * NS)
        estride = E // NC
        off_core = False
    else:
        ept = E // NS
        estride = 0
        off_core = True
    nch = ept // ck

    @functools.partial(
        pl.kernel,
        out_type=jax.ShapeDtypeStruct((NC, NPAD, F), jnp.float32),
        mesh=plsc.VectorSubcoreMesh(**_MESH),
        compiler_params=_SC_PARAMS,
        scratch_types=[
            pltpu.VMEM((ck,), jnp.int32),
            pltpu.VMEM((ck,), jnp.int32),
            pltpu.VMEM((ck,), jnp.int32),
            pltpu.VMEM((ck,), jnp.int32),
            pltpu.VMEM((ck, F), jnp.float32),
            pltpu.VMEM((ck, F), jnp.float32),
            pltpu.VMEM_SHARED((NPAD, F), jnp.float32),
            pltpu.SemaphoreType.DMA,
            pltpu.SemaphoreType.DMA,
            pltpu.SemaphoreType.DMA,
            pltpu.SemaphoreType.DMA,
        ],
    )
    def k(y_hbm, ei_hbm, z_hbm, out_hbm,
          src0_v, src1_v, dst0_v, dst1_v, rows0_v, rows1_v, acc_sh,
          g0, g1, s0, s1):
        c = lax.axis_index("c")
        s = lax.axis_index("s")
        r0 = s * RPT
        sbuf = (src0_v, src1_v)
        dbuf = (dst0_v, dst1_v)
        rbuf = (rows0_v, rows1_v)
        gsem = (g0, g1)
        ssem = (s0, s1)

        if F == 16:
            def zfill(i, carry):
                rows0_v[i, :] = jnp.zeros((16,), jnp.float32)
                return carry

            lax.fori_loop(0, 784, zfill, 0)

            def zcp(i, carry):
                pltpu.sync_copy(rows0_v.at[pl.ds(0, 784)],
                                acc_sh.at[pl.ds(r0 + i * 784, 784)])
                return carry

            lax.fori_loop(0, RPT // 784, zcp, 0)
        else:
            pltpu.sync_copy(z_hbm.at[pl.ds(r0, RPT)],
                            acc_sh.at[pl.ds(r0, RPT)])
        plsc.subcore_barrier()

        def idx(j, b):
            base = s * ept + j * ck
            pltpu.sync_copy(ei_hbm.at[0, pl.ds(c * estride + base, ck)],
                            sbuf[b])
            pltpu.sync_copy(ei_hbm.at[1, pl.ds(c * estride + base, ck)],
                            dbuf[b])
            if off_core:
                off = jnp.full((16,), c * NPAD, jnp.int32)

                def addoff(i, carry):
                    sbuf[b][pl.ds(i * 16, 16)] = (
                        sbuf[b][pl.ds(i * 16, 16)] + off)
                    return carry

                lax.fori_loop(0, ck // 16, addoff, 0)

        def gstart(b):
            pltpu.async_copy(y_hbm.at[sbuf[b]], rbuf[b], gsem[b])

        def gwait(b):
            pltpu.make_async_copy(y_hbm.at[sbuf[b]], rbuf[b],
                                  gsem[b]).wait()

        def sstart(b):
            pltpu.async_copy(rbuf[b], acc_sh.at[dbuf[b]], ssem[b], add=True)

        def swait(b):
            pltpu.make_async_copy(rbuf[b], acc_sh.at[dbuf[b]],
                                  ssem[b]).wait()

        idx(0, 0)
        gstart(0)

        def body(j2, carry):
            e = 2 * j2
            idx(e + 1, 1)
            gstart(1)
            gwait(0)
            sstart(0)
            swait(0)

            @pl.when(e + 2 < nch)
            def _():
                idx(e + 2, 0)
                gstart(0)

            gwait(1)
            sstart(1)
            swait(1)
            return carry

        lax.fori_loop(0, nch // 2, body, 0)
        if nch % 2 == 1:
            gwait(0)
            sstart(0)
            swait(0)
        plsc.subcore_barrier()
        pltpu.sync_copy(acc_sh.at[pl.ds(r0, RPT)],
                        out_hbm.at[c, pl.ds(r0, RPT)])

    return k(y, ei, zrows)


def _tc_head(xp, degp, W1, b1, Wc1):

    def body(x_ref, degp_ref, W1_ref, b1_ref, Wc1_ref, y_ref, dinv_ref):
        deg = degp_ref[0, :] + degp_ref[1, :] + 1.0
        dinv = lax.rsqrt(deg)
        h = jnp.maximum(
            jnp.dot(x_ref[...], W1_ref[...],
                    preferred_element_type=jnp.float32) + b1_ref[...][None, :],
            0.0)
        xw = jnp.dot(h, Wc1_ref[...], preferred_element_type=jnp.float32)
        y = xw * dinv[:, None]
        y_ref[0, :, :] = y[:, :16]
        y_ref[1, :, :] = y[:, 16:]
        dinv_ref[0, 0, :] = dinv

    return pl.pallas_call(
        body,
        grid=(NB,),
        in_specs=[
            pl.BlockSpec((TB, 12), lambda i: (i, 0)),
            pl.BlockSpec((2, TB), lambda i: (0, i)),
            pl.BlockSpec((12, 32), lambda i: (0, 0)),
            pl.BlockSpec((32,), lambda i: (0,)),
            pl.BlockSpec((32, 32), lambda i: (0, 0)),
        ],
        out_specs=[
            pl.BlockSpec((2, TB, 16), lambda i: (0, i, 0)),
            pl.BlockSpec((1, 1, TB), lambda i: (i, 0, 0)),
        ],
        out_shape=[
            jax.ShapeDtypeStruct((2, NPAD, 16), jnp.float32),
            jax.ShapeDtypeStruct((NB, 1, TB), jnp.float32),
        ],
        compiler_params=_TC_PARAMS,
    )(xp, degp, W1, b1, Wc1)


def _tc_mid(agg1, y1, dinv, bc1, Wc3p):

    def body(agg_ref, y1_ref, dinv_ref, bc1_ref, Wc3_ref, y2_ref):
        dinv = dinv_ref[0, 0, :]
        lo = jnp.maximum(
            dinv[:, None] * (agg_ref[0] + y1_ref[0]) + bc1_ref[0:16][None, :],
            0.0)
        hi = jnp.maximum(
            dinv[:, None] * (agg_ref[1] + y1_ref[1]) + bc1_ref[16:32][None, :],
            0.0)
        xw = (jnp.dot(lo, Wc3_ref[0:16, :], preferred_element_type=jnp.float32)
              + jnp.dot(hi, Wc3_ref[16:32, :],
                        preferred_element_type=jnp.float32))
        y2_ref[...] = xw * dinv[:, None]

    return pl.pallas_call(
        body,
        grid=(NB,),
        in_specs=[
            pl.BlockSpec((2, TB, 16), lambda i: (0, i, 0)),
            pl.BlockSpec((2, TB, 16), lambda i: (0, i, 0)),
            pl.BlockSpec((1, 1, TB), lambda i: (i, 0, 0)),
            pl.BlockSpec((32,), lambda i: (0,)),
            pl.BlockSpec((32, 8), lambda i: (0, 0)),
        ],
        out_specs=pl.BlockSpec((TB, 8), lambda i: (i, 0)),
        out_shape=jax.ShapeDtypeStruct((NPAD, 8), jnp.float32),
        compiler_params=_TC_PARAMS,
    )(agg1, y1, dinv, bc1, Wc3p)


def _tc_tail(agg2, y2, dinv, bc3p, batchp):

    def body(agg_ref, y2_ref, dinv_ref, bc3_ref, batch_ref, out_ref):
        i = pl.program_id(0)
        dinv = dinv_ref[0, 0, :]
        h3 = (dinv[:, None] * (agg_ref[0] + agg_ref[1] + y2_ref[...])
              + bc3_ref[...][None, :])
        oh = (batch_ref[0, 0, :][:, None]
              == lax.broadcasted_iota(jnp.int32, (1, G), 1)).astype(jnp.float32)
        blk = lax.dot_general(oh, h3, (((0,), (0,)), ((), ())),
                              preferred_element_type=jnp.float32)

        @pl.when(i == 0)
        def _():
            out_ref[...] = jnp.zeros((G, 8), jnp.float32)

        out_ref[...] += blk

        @pl.when(i == NB - 1)
        def _():
            p = out_ref[...]
            col = lax.broadcasted_iota(jnp.int32, (G, 8), 1)
            pm = jnp.where(col < 3, p, -jnp.inf)
            mx = jnp.max(pm, axis=1, keepdims=True)
            lse = mx + jnp.log(
                jnp.sum(jnp.where(col < 3, jnp.exp(p - mx), 0.0),
                        axis=1, keepdims=True))
            out_ref[...] = p - lse

    return pl.pallas_call(
        body,
        grid=(NB,),
        in_specs=[
            pl.BlockSpec((2, TB, 8), lambda i: (0, i, 0)),
            pl.BlockSpec((TB, 8), lambda i: (i, 0)),
            pl.BlockSpec((1, 1, TB), lambda i: (i, 0, 0)),
            pl.BlockSpec((8,), lambda i: (0,)),
            pl.BlockSpec((1, 1, TB), lambda i: (i, 0, 0)),
        ],
        out_specs=pl.BlockSpec((G, 8), lambda i: (0, 0)),
        out_shape=jax.ShapeDtypeStruct((G, 8), jnp.float32),
        compiler_params=_TC_PARAMS,
    )(agg2, y2, dinv, bc3p, batchp)


def kernel(x, edge_index, batch, W1, b1, Wc1, bc1, Wc3, bc3):
    xp = jnp.pad(x, ((0, NPAD - N), (0, 0)))
    batchp = jnp.pad(batch, (0, NPAD - N),
                     constant_values=G).reshape(NB, 1, TB)
    Wc3p = jnp.pad(Wc3, ((0, 0), (0, 5)))
    bc3p = jnp.pad(bc3, (0, 5))
    z8 = jnp.zeros((NPAD, 8), jnp.float32)

    degp = _sc_deg(edge_index)
    y1, dinv = _tc_head(xp, degp, W1, b1, Wc1)
    agg1 = _sc_conv(y1.reshape(2 * NPAD, 16), edge_index, z8,
                    F=16, split_edges=False, ck=800)
    y2 = _tc_mid(agg1, y1, dinv, bc1, Wc3p)
    agg2 = _sc_conv(y2, edge_index, z8, F=8, split_edges=True, ck=1000)
    pooled = _tc_tail(agg2, y2, dinv, bc3p, batchp)
    return pooled[:, :3]

# --- scband reference (transcript-rebuilt; emitter-appended) ---
"""Pipeline reference for scband-net-29317446763047 (READ-ONLY COPY).

The authoritative reference and input builder live on the scoring server;
editing this copy changes nothing except your own understanding.
"""

import jax, jax.numpy as jnp
import numpy as np

N = 100000
E = 1600000
NUM_GRAPHS = 64


def setup_inputs(seed: int = 0) -> dict:
    key = jax.random.key(seed)
    ks = jax.random.split(key, 8)
    x = jax.random.normal(ks[0], (N, 12), dtype=jnp.float32)
    edge_index = jax.random.randint(ks[1], (2, E), 0, N, dtype=jnp.int32)
    batch = jnp.sort(jax.random.randint(ks[2], (N,), 0, NUM_GRAPHS, dtype=jnp.int32))
    W1 = jax.random.normal(ks[3], (12, 32), dtype=jnp.float32) * 0.1
    b1 = jnp.zeros((32,), dtype=jnp.float32)
    Wc1 = jax.random.normal(ks[4], (32, 32), dtype=jnp.float32) * 0.1
    bc1 = jnp.zeros((32,), dtype=jnp.float32)
    Wc3 = jax.random.normal(ks[5], (32, 3), dtype=jnp.float32) * 0.1
    bc3 = jnp.zeros((3,), dtype=jnp.float32)
    return {"x": x, "edge_index": edge_index, "batch": batch,
            "W1": W1, "b1": b1, "Wc1": Wc1, "bc1": bc1, "Wc3": Wc3, "bc3": bc3}


def gcn_conv(x, edge_index, W, b):
    # PyG GCNConv: linear transform, add self-loops, symmetric normalization, scatter-add aggregation
    num_nodes = x.shape[0]
    xw = x @ W
    self_loops = jnp.arange(num_nodes, dtype=edge_index.dtype)
    src = jnp.concatenate([edge_index[0], self_loops])
    dst = jnp.concatenate([edge_index[1], self_loops])
    deg = jax.ops.segment_sum(jnp.ones_like(src, dtype=xw.dtype), dst, num_segments=num_nodes)
    deg_inv_sqrt = jnp.where(deg > 0, 1.0 / jnp.sqrt(deg), 0.0)
    norm = deg_inv_sqrt[src] * deg_inv_sqrt[dst]
    msgs = norm[:, None] * jnp.take(xw, src, axis=0)
    out = jax.ops.segment_sum(msgs, dst, num_segments=num_nodes)
    return out + b


def reference(x, edge_index, batch, W1, b1, Wc1, bc1, Wc3, bc3):
    # mlp1: Linear(12, 32) + ReLU
    h = jax.nn.relu(x @ W1 + b1)
    # conv1: GCNConv(32, 32) then ReLU
    h = gcn_conv(h, edge_index, Wc1, bc1)
    h = jax.nn.relu(h)
    # conv3: GCNConv(32, 3)  (conv2 is defined but unused in forward)
    h = gcn_conv(h, edge_index, Wc3, bc3)
    # global_add_pool over batch assignment
    pooled = jax.ops.segment_sum(h, batch, num_segments=NUM_GRAPHS)
    return jax.nn.log_softmax(pooled, axis=1)

if __name__ == "__main__":
    import jax
    _d = setup_inputs()
    print(jax.jit(kernel)(*tuple(_d.values())))

</pallas_src>

<mosaic_0001>
#map = affine_map<(d0, d1) -> (0, 0)>
#map1 = affine_map<(d0, d1) -> (0, 0, 0)>
module attributes {stable_mosaic.version = 14 : i64} {
  func.func @k(%arg0: i32, %arg1: i32, %arg2: memref<100352x8xf32, #tpu.memory_space<hbm>>, %arg3: memref<2x1600000xi32, #tpu.memory_space<hbm>>, %arg4: memref<100352x8xf32, #tpu.memory_space<hbm>>, %arg5: memref<2x100352x8xf32, #tpu.memory_space<hbm>>, %arg6: memref<1000xi32, #tpu.memory_space<vmem>>, %arg7: memref<1000xi32, #tpu.memory_space<vmem>>, %arg8: memref<1000xi32, #tpu.memory_space<vmem>>, %arg9: memref<1000xi32, #tpu.memory_space<vmem>>, %arg10: memref<1000x8xf32, #tpu.memory_space<vmem>>, %arg11: memref<1000x8xf32, #tpu.memory_space<vmem>>, %arg12: memref<100352x8xf32, #tpu.memory_space<vmem_shared>>, %arg13: memref<!tpu.dma_semaphore, #tpu.memory_space<semaphore_mem>>, %arg14: memref<!tpu.dma_semaphore, #tpu.memory_space<semaphore_mem>>, %arg15: memref<!tpu.dma_semaphore, #tpu.memory_space<semaphore_mem>>, %arg16: memref<!tpu.dma_semaphore, #tpu.memory_space<semaphore_mem>>) attributes {dimension_semantics = [#tpu.dimension_semantics<core_parallel>, #tpu.dimension_semantics<subcore_parallel>], iteration_bounds = array<i64: 2, 16>, scalar_prefetch = 0 : i64, scratch_operands = 11 : i64, tpu.core_type = #tpu.core_type<sc_vector_subcore>, window_params = [{transform_indices = #map}, {transform_indices = #map}, {transform_indices = #map}, {transform_indices = #map1}]} {
    %mul3A = arith.constant 6272 : i32
    %mul3A_0 = arith.muli %arg1, %mul3A : i32
    "tpu.region"() ({
      %run_scoped3A_19 = tpu.sem_alloc : memref<!tpu.dma_semaphore, #tpu.memory_space<semaphore_mem>>
      %dma_start3A_20 = arith.constant 0 : i32
      %dma_start3A_21 = tpu.memref_slice %arg12[%mul3A_0, %dma_start3A_20] : memref<100352x8xf32, #tpu.memory_space<vmem_shared>> -> memref<6272x8xf32, #tpu.memory_space<vmem_shared>>
      %dma_start3A_22 = arith.constant 0 : i32
      %dma_start3A_23 = tpu.memref_slice %arg4[%mul3A_0, %dma_start3A_22] : memref<100352x8xf32, #tpu.memory_space<hbm>> -> memref<6272x8xf32, #tpu.memory_space<hbm>>
      tpu.enqueue_dma source(%dma_start3A_23 : memref<6272x8xf32, #tpu.memory_space<hbm>>) target(%dma_start3A_21 : memref<6272x8xf32, #tpu.memory_space<vmem_shared>>) target_semaphore(%run_scoped3A_19 : memref<!tpu.dma_semaphore, #tpu.memory_space<semaphore_mem>>)
      %dma_wait3A = arith.constant 0 : i32
      %dma_wait3A_24 = tpu.memref_slice %arg12[%mul3A_0, %dma_wait3A] : memref<100352x8xf32, #tpu.memory_space<vmem_shared>> -> memref<6272x8xf32, #tpu.memory_space<vmem_shared>>
      %dma_wait3A_25 = arith.constant 0 : i32
      %dma_wait3A_26 = tpu.memref_slice %arg4[%mul3A_0, %dma_wait3A_25] : memref<100352x8xf32, #tpu.memory_space<hbm>> -> memref<6272x8xf32, #tpu.memory_space<hbm>>
      tpu.wait_dma2 semaphore(%run_scoped3A_19 : memref<!tpu.dma_semaphore, #tpu.memory_space<semaphore_mem>>) src(%dma_wait3A_26 : memref<6272x8xf32, #tpu.memory_space<hbm>>) dst(%dma_wait3A_24 : memref<6272x8xf32, #tpu.memory_space<vmem_shared>>)
      tpu.yield
    }) : () -> ()
    %barrier3A = arith.constant 0 : index
    tpu.barrier barrier_id(%barrier3A)
    %mul3A_1 = arith.constant 50000 : i32
    %mul3A_2 = arith.muli %arg1, %mul3A_1 : i32
    %add3A = arith.constant 0 : i32
    %add3A_3 = arith.addi %mul3A_2, %add3A : i32
    %mul3A_4 = arith.constant 800000 : i32
    %mul3A_5 = arith.muli %arg0, %mul3A_4 : i32
    %add3A_6 = arith.addi %mul3A_5, %add3A_3 : i32
    %run_scoped3A = arith.constant 0 : i32
    "tpu.region"() ({
      %run_scoped3A_19 = tpu.sem_alloc : memref<!tpu.dma_semaphore, #tpu.memory_space<semaphore_mem>>
      %dma_start3A_20 = tpu.memref_slice %arg3[%run_scoped3A, %add3A_6] : memref<2x1600000xi32, #tpu.memory_space<hbm>> -> memref<1x1000xi32, #tpu.memory_space<hbm>>
      %dma_start3A_21 = tpu.memref_squeeze %dma_start3A_20 : memref<1x1000xi32, #tpu.memory_space<hbm>> -> memref<1000xi32, #tpu.memory_space<hbm>>
      %dma_start3A_22 = tpu.memref_slice %arg3[%run_scoped3A, %add3A_6] : memref<2x1600000xi32, #tpu.memory_space<hbm>> -> memref<1x1000xi32, #tpu.memory_space<hbm>>
      %dma_start3A_23 = tpu.memref_squeeze %dma_start3A_22 : memref<1x1000xi32, #tpu.memory_space<hbm>> -> memref<1000xi32, #tpu.memory_space<hbm>>
      tpu.enqueue_dma source(%dma_start3A_23 : memref<1000xi32, #tpu.memory_space<hbm>>) target(%arg6 : memref<1000xi32, #tpu.memory_space<vmem>>) target_semaphore(%run_scoped3A_19 : memref<!tpu.dma_semaphore, #tpu.memory_space<semaphore_mem>>)
      %dma_wait3A = tpu.memref_slice %arg3[%run_scoped3A, %add3A_6] : memref<2x1600000xi32, #tpu.memory_space<hbm>> -> memref<1x1000xi32, #tpu.memory_space<hbm>>
      %dma_wait3A_24 = tpu.memref_squeeze %dma_wait3A : memref<1x1000xi32, #tpu.memory_space<hbm>> -> memref<1000xi32, #tpu.memory_space<hbm>>
      %dma_wait3A_25 = tpu.memref_slice %arg3[%run_scoped3A, %add3A_6] : memref<2x1600000xi32, #tpu.memory_space<hbm>> -> memref<1x1000xi32, #tpu.memory_space<hbm>>
      %dma_wait3A_26 = tpu.memref_squeeze %dma_wait3A_25 : memref<1x1000xi32, #tpu.memory_space<hbm>> -> memref<1000xi32, #tpu.memory_space<hbm>>
      tpu.wait_dma2 semaphore(%run_scoped3A_19 : memref<!tpu.dma_semaphore, #tpu.memory_space<semaphore_mem>>) src(%dma_wait3A_26 : memref<1000xi32, #tpu.memory_space<hbm>>) dst(%arg6 : memref<1000xi32, #tpu.memory_space<vmem>>)
      tpu.yield
    }) : () -> ()
    %mul3A_7 = arith.constant 800000 : i32
    %mul3A_8 = arith.muli %arg0, %mul3A_7 : i32
    %add3A_9 = arith.addi %mul3A_8, %add3A_3 : i32
    %run_scoped3A_10 = arith.constant 1 : i32
    "tpu.region"() ({
      %run_scoped3A_19 = tpu.sem_alloc : memref<!tpu.dma_semaphore, #tpu.memory_space<semaphore_mem>>
      %dma_start3A_20 = tpu.memref_slice %arg3[%run_scoped3A_10, %add3A_9] : memref<2x1600000xi32, #tpu.memory_space<hbm>> -> memref<1x1000xi32, #tpu.memory_space<hbm>>
      %dma_start3A_21 = tpu.memref_squeeze %dma_start3A_20 : memref<1x1000xi32, #tpu.memory_space<hbm>> -> memref<1000xi32, #tpu.memory_space<hbm>>
      %dma_start3A_22 = tpu.memref_slice %arg3[%run_scoped3A_10, %add3A_9] : memref<2x1600000xi32, #tpu.memory_space<hbm>> -> memref<1x1000xi32, #tpu.memory_space<hbm>>
      %dma_start3A_23 = tpu.memref_squeeze %dma_start3A_22 : memref<1x1000xi32, #tpu.memory_space<hbm>> -> memref<1000xi32, #tpu.memory_space<hbm>>
      tpu.enqueue_dma source(%dma_start3A_23 : memref<1000xi32, #tpu.memory_space<hbm>>) target(%arg8 : memref<1000xi32, #tpu.memory_space<vmem>>) target_semaphore(%run_scoped3A_19 : memref<!tpu.dma_semaphore, #tpu.memory_space<semaphore_mem>>)
      %dma_wait3A = tpu.memref_slice %arg3[%run_scoped3A_10, %add3A_9] : memref<2x1600000xi32, #tpu.memory_space<hbm>> -> memref<1x1000xi32, #tpu.memory_space<hbm>>
      %dma_wait3A_24 = tpu.memref_squeeze %dma_wait3A : memref<1x1000xi32, #tpu.memory_space<hbm>> -> memref<1000xi32, #tpu.memory_space<hbm>>
      %dma_wait3A_25 = tpu.memref_slice %arg3[%run_scoped3A_10, %add3A_9] : memref<2x1600000xi32, #tpu.memory_space<hbm>> -> memref<1x1000xi32, #tpu.memory_space<hbm>>
      %dma_wait3A_26 = tpu.memref_squeeze %dma_wait3A_25 : memref<1x1000xi32, #tpu.memory_space<hbm>> -> memref<1000xi32, #tpu.memory_space<hbm>>
      tpu.wait_dma2 semaphore(%run_scoped3A_19 : memref<!tpu.dma_semaphore, #tpu.memory_space<semaphore_mem>>) src(%dma_wait3A_26 : memref<1000xi32, #tpu.memory_space<hbm>>) dst(%arg8 : memref<1000xi32, #tpu.memory_space<vmem>>)
      tpu.yield
    }) : () -> ()
    %dma_start3A = arith.constant 0 : i32
    %dma_start3A_11 = arith.constant 0 : i32
    %dma_start3A_12 = tpu.memref_slice %arg2[%dma_start3A, %dma_start3A_11] : memref<100352x8xf32, #tpu.memory_space<hbm>> -> memref<100352x8xf32, #tpu.memory_space<hbm>>
    tpu.enqueue_indirect_dma source(%dma_start3A_12 : memref<100352x8xf32, #tpu.memory_space<hbm>>) target(%arg10 : memref<1000x8xf32, #tpu.memory_space<vmem>>) offsets(%arg6 : memref<1000xi32, #tpu.memory_space<vmem>>) semaphore(%arg13 : memref<!tpu.dma_semaphore, #tpu.memory_space<semaphore_mem>>)
    %scan3A = arith.constant 0 : i32
    %scan3A_13 = arith.constant 0 : i32
    %scan3A_14 = arith.constant 25 : i32
    %scan3A_15 = arith.addi %scan3A_13, %scan3A_14 : i32
    %scan3A_16 = arith.constant 1 : i32
    scf.for %scan3A_19 = %scan3A_13 to %scan3A_15 step %scan3A_16  : i32 {
      %mul3A_20 = arith.constant 2 : i32
      %mul3A_21 = arith.muli %mul3A_20, %scan3A_19 : i32
      %add3A_22 = arith.constant 1 : i32
      %add3A_23 = arith.addi %mul3A_21, %add3A_22 : i32
      %mul3A_24 = arith.constant 50000 : i32
      %mul3A_25 = arith.muli %arg1, %mul3A_24 : i32
      %mul3A_26 = arith.constant 1000 : i32
      %mul3A_27 = arith.muli %add3A_23, %mul3A_26 : i32
      %add3A_28 = arith.addi %mul3A_25, %mul3A_27 : i32
      %mul3A_29 = arith.constant 800000 : i32
      %mul3A_30 = arith.muli %arg0, %mul3A_29 : i32
      %add3A_31 = arith.addi %mul3A_30, %add3A_28 : i32
      %run_scoped3A_32 = arith.constant 0 : i32
      "tpu.region"() ({
        %run_scoped3A_61 = tpu.sem_alloc : memref<!tpu.dma_semaphore, #tpu.memory_space<semaphore_mem>>
        %dma_start3A_62 = tpu.memref_slice %arg3[%run_scoped3A_32, %add3A_31] : memref<2x1600000xi32, #tpu.memory_space<hbm>> -> memref<1x1000xi32, #tpu.memory_space<hbm>>
        %dma_start3A_63 = tpu.memref_squeeze %dma_start3A_62 : memref<1x1000xi32, #tpu.memory_space<hbm>> -> memref<1000xi32, #tpu.memory_space<hbm>>
        %dma_start3A_64 = tpu.memref_slice %arg3[%run_scoped3A_32, %add3A_31] : memref<2x1600000xi32, #tpu.memory_space<hbm>> -> memref<1x1000xi32, #tpu.memory_space<hbm>>
        %dma_start3A_65 = tpu.memref_squeeze %dma_start3A_64 : memref<1x1000xi32, #tpu.memory_space<hbm>> -> memref<1000xi32, #tpu.memory_space<hbm>>
        tpu.enqueue_dma source(%dma_start3A_65 : memref<1000xi32, #tpu.memory_space<hbm>>) target(%arg7 : memref<1000xi32, #tpu.memory_space<vmem>>) target_semaphore(%run_scoped3A_61 : memref<!tpu.dma_semaphore, #tpu.memory_space<semaphore_mem>>)
        %dma_wait3A_66 = tpu.memref_slice %arg3[%run_scoped3A_32, %add3A_31] : memref<2x1600000xi32, #tpu.memory_space<hbm>> -> memref<1x1000xi32, #tpu.memory_space<hbm>>
        %dma_wait3A_67 = tpu.memref_squeeze %dma_wait3A_66 : memref<1x1000xi32, #tpu.memory_space<hbm>> -> memref<1000xi32, #tpu.memory_space<hbm>>
        %dma_wait3A_68 = tpu.memref_slice %arg3[%run_scoped3A_32, %add3A_31] : memref<2x1600000xi32, #tpu.memory_space<hbm>> -> memref<1x1000xi32, #tpu.memory_space<hbm>>
        %dma_wait3A_69 = tpu.memref_squeeze %dma_wait3A_68 : memref<1x1000xi32, #tpu.memory_space<hbm>> -> memref<1000xi32, #tpu.memory_space<hbm>>
        tpu.wait_dma2 semaphore(%run_scoped3A_61 : memref<!tpu.dma_semaphore, #tpu.memory_space<semaphore_mem>>) src(%dma_wait3A_69 : memref<1000xi32, #tpu.memory_space<hbm>>) dst(%arg7 : memref<1000xi32, #tpu.memory_space<vmem>>)
        tpu.yield
      }) : () -> ()
      %mul3A_33 = arith.constant 800000 : i32
      %mul3A_34 = arith.muli %arg0, %mul3A_33 : i32
      %add3A_35 = arith.addi %mul3A_34, %add3A_28 : i32
      %run_scoped3A_36 = arith.constant 1 : i32
      "tpu.region"() ({
        %run_scoped3A_61 = tpu.sem_alloc : memref<!tpu.dma_semaphore, #tpu.memory_space<semaphore_mem>>
        %dma_start3A_62 = tpu.memref_slice %arg3[%run_scoped3A_36, %add3A_35] : memref<2x1600000xi32, #tpu.memory_space<hbm>> -> memref<1x1000xi32, #tpu.memory_space<hbm>>
        %dma_start3A_63 = tpu.memref_squeeze %dma_start3A_62 : memref<1x1000xi32, #tpu.memory_space<hbm>> -> memref<1000xi32, #tpu.memory_space<hbm>>
        %dma_start3A_64 = tpu.memref_slice %arg3[%run_scoped3A_36, %add3A_35] : memref<2x1600000xi32, #tpu.memory_space<hbm>> -> memref<1x1000xi32, #tpu.memory_space<hbm>>
        %dma_start3A_65 = tpu.memref_squeeze %dma_start3A_64 : memref<1x1000xi32, #tpu.memory_space<hbm>> -> memref<1000xi32, #tpu.memory_space<hbm>>
        tpu.enqueue_dma source(%dma_start3A_65 : memref<1000xi32, #tpu.memory_space<hbm>>) target(%arg9 : memref<1000xi32, #tpu.memory_space<vmem>>) target_semaphore(%run_scoped3A_61 : memref<!tpu.dma_semaphore, #tpu.memory_space<semaphore_mem>>)
        %dma_wait3A_66 = tpu.memref_slice %arg3[%run_scoped3A_36, %add3A_35] : memref<2x1600000xi32, #tpu.memory_space<hbm>> -> memref<1x1000xi32, #tpu.memory_space<hbm>>
        %dma_wait3A_67 = tpu.memref_squeeze %dma_wait3A_66 : memref<1x1000xi32, #tpu.memory_space<hbm>> -> memref<1000xi32, #tpu.memory_space<hbm>>
        %dma_wait3A_68 = tpu.memref_slice %arg3[%run_scoped3A_36, %add3A_35] : memref<2x1600000xi32, #tpu.memory_space<hbm>> -> memref<1x1000xi32, #tpu.memory_space<hbm>>
        %dma_wait3A_69 = tpu.memref_squeeze %dma_wait3A_68 : memref<1x1000xi32, #tpu.memory_space<hbm>> -> memref<1000xi32, #tpu.memory_space<hbm>>
        tpu.wait_dma2 semaphore(%run_scoped3A_61 : memref<!tpu.dma_semaphore, #tpu.memory_space<semaphore_mem>>) src(%dma_wait3A_69 : memref<1000xi32, #tpu.memory_space<hbm>>) dst(%arg9 : memref<1000xi32, #tpu.memory_space<vmem>>)
        tpu.yield
      }) : () -> ()
      %dma_start3A_37 = arith.constant 0 : i32
      %dma_start3A_38 = arith.constant 0 : i32
      %dma_start3A_39 = tpu.memref_slice %arg2[%dma_start3A_37, %dma_start3A_38] : memref<100352x8xf32, #tpu.memory_space<hbm>> -> memref<100352x8xf32, #tpu.memory_space<hbm>>
      tpu.enqueue_indirect_dma source(%dma_start3A_39 : memref<100352x8xf32, #tpu.memory_space<hbm>>) target(%arg11 : memref<1000x8xf32, #tpu.memory_space<vmem>>) offsets(%arg7 : memref<1000xi32, #tpu.memory_space<vmem>>) semaphore(%arg14 : memref<!tpu.dma_semaphore, #tpu.memory_space<semaphore_mem>>)
      %dma_wait3A = arith.constant 0 : i32
      %dma_wait3A_40 = arith.constant 0 : i32
      %dma_wait3A_41 = tpu.memref_slice %arg2[%dma_wait3A, %dma_wait3A_40] : memref<100352x8xf32, #tpu.memory_space<hbm>> -> memref<100352x8xf32, #tpu.memory_space<hbm>>
      tpu.wait_indirect_dma semaphore(%arg13 : memref<!tpu.dma_semaphore, #tpu.memory_space<semaphore_mem>>) src(%dma_wait3A_41 : memref<100352x8xf32, #tpu.memory_space<hbm>>) dst(%arg10 : memref<1000x8xf32, #tpu.memory_space<vmem>>)
      %dma_start3A_42 = arith.constant 0 : i32
      %dma_start3A_43 = arith.constant 0 : i32
      %dma_start3A_44 = tpu.memref_slice %arg12[%dma_start3A_42, %dma_start3A_43] : memref<100352x8xf32, #tpu.memory_space<vmem_shared>> -> memref<100352x8xf32, #tpu.memory_space<vmem_shared>>
      tpu.enqueue_indirect_dma source(%arg10 : memref<1000x8xf32, #tpu.memory_space<vmem>>) target(%dma_start3A_44 : memref<100352x8xf32, #tpu.memory_space<vmem_shared>>) offsets(%arg8 : memref<1000xi32, #tpu.memory_space<vmem>>) semaphore(%arg15 : memref<!tpu.dma_semaphore, #tpu.memory_space<semaphore_mem>>) {add = true}
      %dma_wait3A_45 = arith.constant 0 : i32
      %dma_wait3A_46 = arith.constant 0 : i32
      %dma_wait3A_47 = tpu.memref_slice %arg12[%dma_wait3A_45, %dma_wait3A_46] : memref<100352x8xf32, #tpu.memory_space<vmem_shared>> -> memref<100352x8xf32, #tpu.memory_space<vmem_shared>>
      tpu.wait_indirect_dma semaphore(%arg15 : memref<!tpu.dma_semaphore, #tpu.memory_space<semaphore_mem>>) src(%arg10 : memref<1000x8xf32, #tpu.memory_space<vmem>>) dst(%dma_wait3A_47 : memref<100352x8xf32, #tpu.memory_space<vmem_shared>>)
      %add3A_48 = arith.constant 2 : i32
      %add3A_49 = arith.addi %mul3A_21, %add3A_48 : i32
      %lt3A = arith.constant 50 : i32
      %lt3A_50 = arith.cmpi slt, %add3A_49, %lt3A : i32
      %convert_element_type3A = arith.extui %lt3A_50 : i1 to i32
      %cond3A = arith.constant 0 : i32
      %cond3A_51 = arith.cmpi ne, %convert_element_type3A, %cond3A : i32
      scf.if %cond3A_51 {
        %add3A_61 = arith.constant 2 : i32
        %add3A_62 = arith.addi %mul3A_21, %add3A_61 : i32
        %mul3A_63 = arith.constant 50000 : i32
        %mul3A_64 = arith.muli %arg1, %mul3A_63 : i32
        %mul3A_65 = arith.constant 1000 : i32
        %mul3A_66 = arith.muli %add3A_62, %mul3A_65 : i32
        %add3A_67 = arith.addi %mul3A_64, %mul3A_66 : i32
        %mul3A_68 = arith.constant 800000 : i32
        %mul3A_69 = arith.muli %arg0, %mul3A_68 : i32
        %add3A_70 = arith.addi %mul3A_69, %add3A_67 : i32
        %run_scoped3A_71 = arith.constant 0 : i32
        "tpu.region"() ({
          %run_scoped3A_79 = tpu.sem_alloc : memref<!tpu.dma_semaphore, #tpu.memory_space<semaphore_mem>>
          %dma_start3A_80 = tpu.memref_slice %arg3[%run_scoped3A_71, %add3A_70] : memref<2x1600000xi32, #tpu.memory_space<hbm>> -> memref<1x1000xi32, #tpu.memory_space<hbm>>
          %dma_start3A_81 = tpu.memref_squeeze %dma_start3A_80 : memref<1x1000xi32, #tpu.memory_space<hbm>> -> memref<1000xi32, #tpu.memory_space<hbm>>
          %dma_start3A_82 = tpu.memref_slice %arg3[%run_scoped3A_71, %add3A_70] : memref<2x1600000xi32, #tpu.memory_space<hbm>> -> memref<1x1000xi32, #tpu.memory_space<hbm>>
          %dma_start3A_83 = tpu.memref_squeeze %dma_start3A_82 : memref<1x1000xi32, #tpu.memory_space<hbm>> -> memref<1000xi32, #tpu.memory_space<hbm>>
          tpu.enqueue_dma source(%dma_start3A_83 : memref<1000xi32, #tpu.memory_space<hbm>>) target(%arg6 : memref<1000xi32, #tpu.memory_space<vmem>>) target_semaphore(%run_scoped3A_79 : memref<!tpu.dma_semaphore, #tpu.memory_space<semaphore_mem>>)
          %dma_wait3A_84 = tpu.memref_slice %arg3[%run_scoped3A_71, %add3A_70] : memref<2x1600000xi32, #tpu.memory_space<hbm>> -> memref<1x1000xi32, #tpu.memory_space<hbm>>
          %dma_wait3A_85 = tpu.memref_squeeze %dma_wait3A_84 : memref<1x1000xi32, #tpu.memory_space<hbm>> -> memref<1000xi32, #tpu.memory_space<hbm>>
          %dma_wait3A_86 = tpu.memref_slice %arg3[%run_scoped3A_71, %add3A_70] : memref<2x1600000xi32, #tpu.memory_space<hbm>> -> memref<1x1000xi32, #tpu.memory_space<hbm>>
          %dma_wait3A_87 = tpu.memref_squeeze %dma_wait3A_86 : memref<1x1000xi32, #tpu.memory_space<hbm>> -> memref<1000xi32, #tpu.memory_space<hbm>>
          tpu.wait_dma2 semaphore(%run_scoped3A_79 : memref<!tpu.dma_semaphore, #tpu.memory_space<semaphore_mem>>) src(%dma_wait3A_87 : memref<1000xi32, #tpu.memory_space<hbm>>) dst(%arg6 : memref<1000xi32, #tpu.memory_space<vmem>>)
          tpu.yield
        }) : () -> ()
        %mul3A_72 = arith.constant 800000 : i32
        %mul3A_73 = arith.muli %arg0, %mul3A_72 : i32
        %add3A_74 = arith.addi %mul3A_73, %add3A_67 : i32
        %run_scoped3A_75 = arith.constant 1 : i32
        "tpu.region"() ({
          %run_scoped3A_79 = tpu.sem_alloc : memref<!tpu.dma_semaphore, #tpu.memory_space<semaphore_mem>>
          %dma_start3A_80 = tpu.memref_slice %arg3[%run_scoped3A_75, %add3A_74] : memref<2x1600000xi32, #tpu.memory_space<hbm>> -> memref<1x1000xi32, #tpu.memory_space<hbm>>
          %dma_start3A_81 = tpu.memref_squeeze %dma_start3A_80 : memref<1x1000xi32, #tpu.memory_space<hbm>> -> memref<1000xi32, #tpu.memory_space<hbm>>
          %dma_start3A_82 = tpu.memref_slice %arg3[%run_scoped3A_75, %add3A_74] : memref<2x1600000xi32, #tpu.memory_space<hbm>> -> memref<1x1000xi32, #tpu.memory_space<hbm>>
          %dma_start3A_83 = tpu.memref_squeeze %dma_start3A_82 : memref<1x1000xi32, #tpu.memory_space<hbm>> -> memref<1000xi32, #tpu.memory_space<hbm>>
          tpu.enqueue_dma source(%dma_start3A_83 : memref<1000xi32, #tpu.memory_space<hbm>>) target(%arg8 : memref<1000xi32, #tpu.memory_space<vmem>>) target_semaphore(%run_scoped3A_79 : memref<!tpu.dma_semaphore, #tpu.memory_space<semaphore_mem>>)
          %dma_wait3A_84 = tpu.memref_slice %arg3[%run_scoped3A_75, %add3A_74] : memref<2x1600000xi32, #tpu.memory_space<hbm>> -> memref<1x1000xi32, #tpu.memory_space<hbm>>
          %dma_wait3A_85 = tpu.memref_squeeze %dma_wait3A_84 : memref<1x1000xi32, #tpu.memory_space<hbm>> -> memref<1000xi32, #tpu.memory_space<hbm>>
          %dma_wait3A_86 = tpu.memref_slice %arg3[%run_scoped3A_75, %add3A_74] : memref<2x1600000xi32, #tpu.memory_space<hbm>> -> memref<1x1000xi32, #tpu.memory_space<hbm>>
          %dma_wait3A_87 = tpu.memref_squeeze %dma_wait3A_86 : memref<1x1000xi32, #tpu.memory_space<hbm>> -> memref<1000xi32, #tpu.memory_space<hbm>>
          tpu.wait_dma2 semaphore(%run_scoped3A_79 : memref<!tpu.dma_semaphore, #tpu.memory_space<semaphore_mem>>) src(%dma_wait3A_87 : memref<1000xi32, #tpu.memory_space<hbm>>) dst(%arg8 : memref<1000xi32, #tpu.memory_space<vmem>>)
          tpu.yield
        }) : () -> ()
        %dma_start3A_76 = arith.constant 0 : i32
        %dma_start3A_77 = arith.constant 0 : i32
        %dma_start3A_78 = tpu.memref_slice %arg2[%dma_start3A_76, %dma_start3A_77] : memref<100352x8xf32, #tpu.memory_space<hbm>> -> memref<100352x8xf32, #tpu.memory_space<hbm>>
        tpu.enqueue_indirect_dma source(%dma_start3A_78 : memref<100352x8xf32, #tpu.memory_space<hbm>>) target(%arg10 : memref<1000x8xf32, #tpu.memory_space<vmem>>) offsets(%arg6 : memref<1000xi32, #tpu.memory_space<vmem>>) semaphore(%arg13 : memref<!tpu.dma_semaphore, #tpu.memory_space<semaphore_mem>>)
      } else {
      }
      %dma_wait3A_52 = arith.constant 0 : i32
      %dma_wait3A_53 = arith.constant 0 : i32
      %dma_wait3A_54 = tpu.memref_slice %arg2[%dma_wait3A_52, %dma_wait3A_53] : memref<100352x8xf32, #tpu.memory_space<hbm>> -> memref<100352x8xf32, #tpu.memory_space<hbm>>
      tpu.wait_indirect_dma semaphore(%arg14 : memref<!tpu.dma_semaphore, #tpu.memory_space<semaphore_mem>>) src(%dma_wait3A_54 : memref<100352x8xf32, #tpu.memory_space<hbm>>) dst(%arg11 : memref<1000x8xf32, #tpu.memory_space<vmem>>)
      %dma_start3A_55 = arith.constant 0 : i32
      %dma_start3A_56 = arith.constant 0 : i32
      %dma_start3A_57 = tpu.memref_slice %arg12[%dma_start3A_55, %dma_start3A_56] : memref<100352x8xf32, #tpu.memory_space<vmem_shared>> -> memref<100352x8xf32, #tpu.memory_space<vmem_shared>>
      tpu.enqueue_indirect_dma source(%arg11 : memref<1000x8xf32, #tpu.memory_space<vmem>>) target(%dma_start3A_57 : memref<100352x8xf32, #tpu.memory_space<vmem_shared>>) offsets(%arg9 : memref<1000xi32, #tpu.memory_space<vmem>>) semaphore(%arg16 : memref<!tpu.dma_semaphore, #tpu.memory_space<semaphore_mem>>) {add = true}
      %dma_wait3A_58 = arith.constant 0 : i32
      %dma_wait3A_59 = arith.constant 0 : i32
      %dma_wait3A_60 = tpu.memref_slice %arg12[%dma_wait3A_58, %dma_wait3A_59] : memref<100352x8xf32, #tpu.memory_space<vmem_shared>> -> memref<100352x8xf32, #tpu.memory_space<vmem_shared>>
      tpu.wait_indirect_dma semaphore(%arg16 : memref<!tpu.dma_semaphore, #tpu.memory_space<semaphore_mem>>) src(%arg11 : memref<1000x8xf32, #tpu.memory_space<vmem>>) dst(%dma_wait3A_60 : memref<100352x8xf32, #tpu.memory_space<vmem_shared>>)
    }
    %scan3A_17 = arith.constant 25 : i32
    %barrier3A_18 = arith.constant 0 : index
    tpu.barrier barrier_id(%barrier3A_18)
    "tpu.region"() ({
      %run_scoped3A_19 = tpu.sem_alloc : memref<!tpu.dma_semaphore, #tpu.memory_space<semaphore_mem>>
      %dma_start3A_20 = arith.constant 0 : i32
      %dma_start3A_21 = tpu.memref_slice %arg5[%arg0, %mul3A_0, %dma_start3A_20] : memref<2x100352x8xf32, #tpu.memory_space<hbm>> -> memref<1x6272x8xf32, #tpu.memory_space<hbm>>
      %dma_start3A_22 = tpu.memref_squeeze %dma_start3A_21 : memref<1x6272x8xf32, #tpu.memory_space<hbm>> -> memref<6272x8xf32, #tpu.memory_space<hbm>>
      %dma_start3A_23 = arith.constant 0 : i32
      %dma_start3A_24 = tpu.memref_slice %arg12[%mul3A_0, %dma_start3A_23] : memref<100352x8xf32, #tpu.memory_space<vmem_shared>> -> memref<6272x8xf32, #tpu.memory_space<vmem_shared>>
      tpu.enqueue_dma source(%dma_start3A_24 : memref<6272x8xf32, #tpu.memory_space<vmem_shared>>) target(%dma_start3A_22 : memref<6272x8xf32, #tpu.memory_space<hbm>>) target_semaphore(%run_scoped3A_19 : memref<!tpu.dma_semaphore, #tpu.memory_space<semaphore_mem>>)
      %dma_wait3A = arith.constant 0 : i32
      %dma_wait3A_25 = tpu.memref_slice %arg5[%arg0, %mul3A_0, %dma_wait3A] : memref<2x100352x8xf32, #tpu.memory_space<hbm>> -> memref<1x6272x8xf32, #tpu.memory_space<hbm>>
      %dma_wait3A_26 = tpu.memref_squeeze %dma_wait3A_25 : memref<1x6272x8xf32, #tpu.memory_space<hbm>> -> memref<6272x8xf32, #tpu.memory_space<hbm>>
      %dma_wait3A_27 = arith.constant 0 : i32
      %dma_wait3A_28 = tpu.memref_slice %arg12[%mul3A_0, %dma_wait3A_27] : memref<100352x8xf32, #tpu.memory_space<vmem_shared>> -> memref<6272x8xf32, #tpu.memory_space<vmem_shared>>
      tpu.wait_dma2 semaphore(%run_scoped3A_19 : memref<!tpu.dma_semaphore, #tpu.memory_space<semaphore_mem>>) src(%dma_wait3A_28 : memref<6272x8xf32, #tpu.memory_space<vmem_shared>>) dst(%dma_wait3A_26 : memref<6272x8xf32, #tpu.memory_space<hbm>>)
      tpu.yield
    }) : () -> ()
    return
  }
}

#map = affine_map<(d0, d1) -> (0, 0)>
#map1 = affine_map<(d0, d1) -> (0, 0, 0)>
module attributes {stable_mosaic.version = 14 : i64} {
  func.func @k(%arg0: i32, %arg1: i32, %arg2: memref<200704x16xf32, #tpu.memory_space<hbm>>, %arg3: memref<2x1600000xi32, #tpu.memory_space<hbm>>, %arg4: memref<100352x8xf32, #tpu.memory_space<hbm>>, %arg5: memref<2x100352x16xf32, #tpu.memory_space<hbm>>, %arg6: memref<800xi32, #tpu.memory_space<vmem>>, %arg7: memref<800xi32, #tpu.memory_space<vmem>>, %arg8: memref<800xi32, #tpu.memory_space<vmem>>, %arg9: memref<800xi32, #tpu.memory_space<vmem>>, %arg10: memref<800x16xf32, #tpu.memory_space<vmem>>, %arg11: memref<800x16xf32, #tpu.memory_space<vmem>>, %arg12: memref<100352x16xf32, #tpu.memory_space<vmem_shared>>, %arg13: memref<!tpu.dma_semaphore, #tpu.memory_space<semaphore_mem>>, %arg14: memref<!tpu.dma_semaphore, #tpu.memory_space<semaphore_mem>>, %arg15: memref<!tpu.dma_semaphore, #tpu.memory_space<semaphore_mem>>, %arg16: memref<!tpu.dma_semaphore, #tpu.memory_space<semaphore_mem>>) attributes {dimension_semantics = [#tpu.dimension_semantics<core_parallel>, #tpu.dimension_semantics<subcore_parallel>], iteration_bounds = array<i64: 2, 16>, scalar_prefetch = 0 : i64, scratch_operands = 11 : i64, tpu.core_type = #tpu.core_type<sc_vector_subcore>, window_params = [{transform_indices = #map}, {transform_indices = #map}, {transform_indices = #map}, {transform_indices = #map1}]} {
    %mul3A = arith.constant 6272 : i32
    %mul3A_0 = arith.muli %arg1, %mul3A : i32
    %scan3A = arith.constant 0 : i32
    %scan3A_1 = arith.constant 0 : i32
    %scan3A_2 = arith.constant 784 : i32
    %scan3A_3 = arith.addi %scan3A_1, %scan3A_2 : i32
    %scan3A_4 = arith.constant 1 : i32
    scf.for %scan3A_47 = %scan3A_1 to %scan3A_3 step %scan3A_4  : i32 {
      %broadcast_in_dim3A_48 = arith.constant 0.000000e+00 : f32
      %broadcast_in_dim3A_49 = vector.broadcast %broadcast_in_dim3A_48 : f32 to vector<16xf32>
      %swap3A = arith.index_cast %scan3A_47 : i32 to index
      %swap3A_50 = arith.constant 0 : index
      %swap3A_51 = tpu.vector_load %arg10[%swap3A, %swap3A_50] {strides = array<i32>} : memref<800x16xf32, #tpu.memory_space<vmem>>, vector<1x16xf32>,
      %swap3A_52 = vector.shape_cast %swap3A_51 : vector<1x16xf32> to vector<16xf32>
      %swap3A_53 = vector.shape_cast %broadcast_in_dim3A_49 : vector<16xf32> to vector<1x16xf32>
      tpu.vector_store %arg10[%swap3A, %swap3A_50], %swap3A_53 {strides = array<i32>} : memref<800x16xf32, #tpu.memory_space<vmem>>, vector<1x16xf32>,
    }
    %scan3A_5 = arith.constant 784 : i32
    %scan3A_6 = arith.constant 0 : i32
    %scan3A_7 = arith.constant 0 : i32
    %scan3A_8 = arith.constant 8 : i32
    %scan3A_9 = arith.addi %scan3A_7, %scan3A_8 : i32
    %scan3A_10 = arith.constant 1 : i32
    scf.for %scan3A_47 = %scan3A_7 to %scan3A_9 step %scan3A_10  : i32 {
      %mul3A_48 = arith.constant 784 : i32
      %mul3A_49 = arith.muli %scan3A_47, %mul3A_48 : i32
      %add3A_50 = arith.addi %mul3A_0, %mul3A_49 : i32
      "tpu.region"() ({
        %run_scoped3A_51 = tpu.sem_alloc : memref<!tpu.dma_semaphore, #tpu.memory_space<semaphore_mem>>
        %dma_start3A_52 = arith.constant 0 : i32
        %dma_start3A_53 = arith.constant 0 : i32
        %dma_start3A_54 = tpu.memref_slice %arg10[%dma_start3A_52, %dma_start3A_53] : memref<800x16xf32, #tpu.memory_space<vmem>> -> memref<784x16xf32, #tpu.memory_space<vmem>>
        %dma_start3A_55 = arith.constant 0 : i32
        %dma_start3A_56 = tpu.memref_slice %arg12[%add3A_50, %dma_start3A_55] : memref<100352x16xf32, #tpu.memory_space<vmem_shared>> -> memref<784x16xf32, #tpu.memory_space<vmem_shared>>
        %dma_start3A_57 = arith.constant 0 : i32
        %dma_start3A_58 = tpu.memref_slice %arg12[%add3A_50, %dma_start3A_57] : memref<100352x16xf32, #tpu.memory_space<vmem_shared>> -> memref<784x16xf32, #tpu.memory_space<vmem_shared>>
        %dma_start3A_59 = arith.constant 0 : i32
        %dma_start3A_60 = arith.constant 0 : i32
        %dma_start3A_61 = tpu.memref_slice %arg10[%dma_start3A_59, %dma_start3A_60] : memref<800x16xf32, #tpu.memory_space<vmem>> -> memref<784x16xf32, #tpu.memory_space<vmem>>
        tpu.enqueue_dma source(%dma_start3A_61 : memref<784x16xf32, #tpu.memory_space<vmem>>) target(%dma_start3A_58 : memref<784x16xf32, #tpu.memory_space<vmem_shared>>) target_semaphore(%run_scoped3A_51 : memref<!tpu.dma_semaphore, #tpu.memory_space<semaphore_mem>>)
        %dma_wait3A_62 = arith.constant 0 : i32
        %dma_wait3A_63 = arith.constant 0 : i32
        %dma_wait3A_64 = tpu.memref_slice %arg10[%dma_wait3A_62, %dma_wait3A_63] : memref<800x16xf32, #tpu.memory_space<vmem>> -> memref<784x16xf32, #tpu.memory_space<vmem>>
        %dma_wait3A_65 = arith.constant 0 : i32
        %dma_wait3A_66 = tpu.memref_slice %arg12[%add3A_50, %dma_wait3A_65] : memref<100352x16xf32, #tpu.memory_space<vmem_shared>> -> memref<784x16xf32, #tpu.memory_space<vmem_shared>>
        %dma_wait3A_67 = arith.constant 0 : i32
        %dma_wait3A_68 = tpu.memref_slice %arg12[%add3A_50, %dma_wait3A_67] : memref<100352x16xf32, #tpu.memory_space<vmem_shared>> -> memref<784x16xf32, #tpu.memory_space<vmem_shared>>
        %dma_wait3A_69 = arith.constant 0 : i32
        %dma_wait3A_70 = arith.constant 0 : i32
        %dma_wait3A_71 = tpu.memref_slice %arg10[%dma_wait3A_69, %dma_wait3A_70] : memref<800x16xf32, #tpu.memory_space<vmem>> -> memref<784x16xf32, #tpu.memory_space<vmem>>
        tpu.wait_dma2 semaphore(%run_scoped3A_51 : memref<!tpu.dma_semaphore, #tpu.memory_space<semaphore_mem>>) src(%dma_wait3A_71 : memref<784x16xf32, #tpu.memory_space<vmem>>) dst(%dma_wait3A_68 : memref<784x16xf32, #tpu.memory_space<vmem_shared>>)
        tpu.yield
      }) : () -> ()
    }
    %scan3A_11 = arith.constant 8 : i32
    %barrier3A = arith.constant 0 : index
    tpu.barrier barrier_id(%barrier3A)
    %mul3A_12 = arith.constant 100000 : i32
    %mul3A_13 = arith.muli %arg1, %mul3A_12 : i32
    %add3A = arith.constant 0 : i32
    %add3A_14 = arith.addi %mul3A_13, %add3A : i32
    %mul3A_15 = arith.constant 0 : i32
    %mul3A_16 = arith.muli %arg0, %mul3A_15 : i32
    %add3A_17 = arith.addi %mul3A_16, %add3A_14 : i32
    %run_scoped3A = arith.constant 0 : i32
    "tpu.region"() ({
      %run_scoped3A_47 = tpu.sem_alloc : memref<!tpu.dma_semaphore, #tpu.memory_space<semaphore_mem>>
      %dma_start3A_48 = tpu.memref_slice %arg3[%run_scoped3A, %add3A_17] : memref<2x1600000xi32, #tpu.memory_space<hbm>> -> memref<1x800xi32, #tpu.memory_space<hbm>>
      %dma_start3A_49 = tpu.memref_squeeze %dma_start3A_48 : memref<1x800xi32, #tpu.memory_space<hbm>> -> memref<800xi32, #tpu.memory_space<hbm>>
      %dma_start3A_50 = tpu.memref_slice %arg3[%run_scoped3A, %add3A_17] : memref<2x1600000xi32, #tpu.memory_space<hbm>> -> memref<1x800xi32, #tpu.memory_space<hbm>>
      %dma_start3A_51 = tpu.memref_squeeze %dma_start3A_50 : memref<1x800xi32, #tpu.memory_space<hbm>> -> memref<800xi32, #tpu.memory_space<hbm>>
      tpu.enqueue_dma source(%dma_start3A_51 : memref<800xi32, #tpu.memory_space<hbm>>) target(%arg6 : memref<800xi32, #tpu.memory_space<vmem>>) target_semaphore(%run_scoped3A_47 : memref<!tpu.dma_semaphore, #tpu.memory_space<semaphore_mem>>)
      %dma_wait3A_52 = tpu.memref_slice %arg3[%run_scoped3A, %add3A_17] : memref<2x1600000xi32, #tpu.memory_space<hbm>> -> memref<1x800xi32, #tpu.memory_space<hbm>>
      %dma_wait3A_53 = tpu.memref_squeeze %dma_wait3A_52 : memref<1x800xi32, #tpu.memory_space<hbm>> -> memref<800xi32, #tpu.memory_space<hbm>>
      %dma_wait3A_54 = tpu.memref_slice %arg3[%run_scoped3A, %add3A_17] : memref<2x1600000xi32, #tpu.memory_space<hbm>> -> memref<1x800xi32, #tpu.memory_space<hbm>>
      %dma_wait3A_55 = tpu.memref_squeeze %dma_wait3A_54 : memref<1x800xi32, #tpu.memory_space<hbm>> -> memref<800xi32, #tpu.memory_space<hbm>>
      tpu.wait_dma2 semaphore(%run_scoped3A_47 : memref<!tpu.dma_semaphore, #tpu.memory_space<semaphore_mem>>) src(%dma_wait3A_55 : memref<800xi32, #tpu.memory_space<hbm>>) dst(%arg6 : memref<800xi32, #tpu.memory_space<vmem>>)
      tpu.yield
    }) : () -> ()
    %mul3A_18 = arith.constant 0 : i32
    %mul3A_19 = arith.muli %arg0, %mul3A_18 : i32
    %add3A_20 = arith.addi %mul3A_19, %add3A_14 : i32
    %run_scoped3A_21 = arith.constant 1 : i32
    "tpu.region"() ({
      %run_scoped3A_47 = tpu.sem_alloc : memref<!tpu.dma_semaphore, #tpu.memory_space<semaphore_mem>>
      %dma_start3A_48 = tpu.memref_slice %arg3[%run_scoped3A_21, %add3A_20] : memref<2x1600000xi32, #tpu.memory_space<hbm>> -> memref<1x800xi32, #tpu.memory_space<hbm>>
      %dma_start3A_49 = tpu.memref_squeeze %dma_start3A_48 : memref<1x800xi32, #tpu.memory_space<hbm>> -> memref<800xi32, #tpu.memory_space<hbm>>
      %dma_start3A_50 = tpu.memref_slice %arg3[%run_scoped3A_21, %add3A_20] : memref<2x1600000xi32, #tpu.memory_space<hbm>> -> memref<1x800xi32, #tpu.memory_space<hbm>>
      %dma_start3A_51 = tpu.memref_squeeze %dma_start3A_50 : memref<1x800xi32, #tpu.memory_space<hbm>> -> memref<800xi32, #tpu.memory_space<hbm>>
      tpu.enqueue_dma source(%dma_start3A_51 : memref<800xi32, #tpu.memory_space<hbm>>) target(%arg8 : memref<800xi32, #tpu.memory_space<vmem>>) target_semaphore(%run_scoped3A_47 : memref<!tpu.dma_semaphore, #tpu.memory_space<semaphore_mem>>)
      %dma_wait3A_52 = tpu.memref_slice %arg3[%run_scoped3A_21, %add3A_20] : memref<2x1600000xi32, #tpu.memory_space<hbm>> -> memref<1x800xi32, #tpu.memory_space<hbm>>
      %dma_wait3A_53 = tpu.memref_squeeze %dma_wait3A_52 : memref<1x800xi32, #tpu.memory_space<hbm>> -> memref<800xi32, #tpu.memory_space<hbm>>
      %dma_wait3A_54 = tpu.memref_slice %arg3[%run_scoped3A_21, %add3A_20] : memref<2x1600000xi32, #tpu.memory_space<hbm>> -> memref<1x800xi32, #tpu.memory_space<hbm>>
      %dma_wait3A_55 = tpu.memref_squeeze %dma_wait3A_54 : memref<1x800xi32, #tpu.memory_space<hbm>> -> memref<800xi32, #tpu.memory_space<hbm>>
      tpu.wait_dma2 semaphore(%run_scoped3A_47 : memref<!tpu.dma_semaphore, #tpu.memory_space<semaphore_mem>>) src(%dma_wait3A_55 : memref<800xi32, #tpu.memory_space<hbm>>) dst(%arg8 : memref<800xi32, #tpu.memory_space<vmem>>)
      tpu.yield
    }) : () -> ()
    %mul3A_22 = arith.constant 100352 : i32
    %mul3A_23 = arith.muli %arg0, %mul3A_22 : i32
    %broadcast_in_dim3A = vector.broadcast %mul3A_23 : i32 to vector<16xi32>
    %scan3A_24 = arith.constant 0 : i32
    %scan3A_25 = arith.constant 0 : i32
    %scan3A_26 = arith.constant 50 : i32
    %scan3A_27 = arith.addi %scan3A_25, %scan3A_26 : i32
    %scan3A_28 = arith.constant 1 : i32
    scf.for %scan3A_47 = %scan3A_25 to %scan3A_27 step %scan3A_28  : i32 {
      %mul3A_48 = arith.constant 16 : i32
      %mul3A_49 = arith.muli %scan3A_47, %mul3A_48 : i32
      %get3A = arith.index_cast %mul3A_49 : i32 to index
      %get3A_50 = tpu.vector_load %arg6[%get3A] {strides = array<i32>} : memref<800xi32, #tpu.memory_space<vmem>>, vector<16xi32>,
      %get3A_51 = vector.shape_cast %get3A_50 : vector<16xi32> to vector<16xi32>
      %add3A_52 = arith.addi %get3A_51, %broadcast_in_dim3A : vector<16xi32>
      %mul3A_53 = arith.constant 16 : i32
      %mul3A_54 = arith.muli %scan3A_47, %mul3A_53 : i32
      %swap3A = arith.index_cast %mul3A_54 : i32 to index
      %swap3A_55 = tpu.vector_load %arg6[%swap3A] {strides = array<i32>} : memref<800xi32, #tpu.memory_space<vmem>>, vector<16xi32>,
      %swap3A_56 = vector.shape_cast %swap3A_55 : vector<16xi32> to vector<16xi32>
      %swap3A_57 = vector.shape_cast %add3A_52 : vector<16xi32> to vector<16xi32>
      tpu.vector_store %arg6[%swap3A], %swap3A_57 {strides = array<i32>} : memref<800xi32, #tpu.memory_space<vmem>>, vector<16xi32>,
    }
    %scan3A_29 = arith.constant 50 : i32
    %dma_start3A = arith.constant 0 : i32
    %dma_start3A_30 = arith.constant 0 : i32
    %dma_start3A_31 = tpu.memref_slice %arg2[%dma_start3A, %dma_start3A_30] : memref<200704x16xf32, #tpu.memory_space<hbm>> -> memref<200704x16xf32, #tpu.memory_space<hbm>>
    tpu.enqueue_indirect_dma source(%dma_start3A_31 : memref<200704x16xf32, #tpu.memory_space<hbm>>) target(%arg10 : memref<800x16xf32, #tpu.memory_space<vmem>>) offsets(%arg6 : memref<800xi32, #tpu.memory_space<vmem>>) semaphore(%arg13 : memref<!tpu.dma_semaphore, #tpu.memory_space<semaphore_mem>>)
    %scan3A_32 = arith.constant 0 : i32
    %scan3A_33 = arith.constant 0 : i32
    %scan3A_34 = arith.constant 62 : i32
    %scan3A_35 = arith.addi %scan3A_33, %scan3A_34 : i32
    %scan3A_36 = arith.constant 1 : i32
    scf.for %scan3A_47 = %scan3A_33 to %scan3A_35 step %scan3A_36  : i32 {
      %mul3A_48 = arith.constant 2 : i32
      %mul3A_49 = arith.muli %mul3A_48, %scan3A_47 : i32
      %add3A_50 = arith.constant 1 : i32
      %add3A_51 = arith.addi %mul3A_49, %add3A_50 : i32
      %mul3A_52 = arith.constant 100000 : i32
      %mul3A_53 = arith.muli %arg1, %mul3A_52 : i32
      %mul3A_54 = arith.constant 800 : i32
      %mul3A_55 = arith.muli %add3A_51, %mul3A_54 : i32
      %add3A_56 = arith.addi %mul3A_53, %mul3A_55 : i32
      %mul3A_57 = arith.constant 0 : i32
      %mul3A_58 = arith.muli %arg0, %mul3A_57 : i32
      %add3A_59 = arith.addi %mul3A_58, %add3A_56 : i32
      %run_scoped3A_60 = arith.constant 0 : i32
      "tpu.region"() ({
        %run_scoped3A_99 = tpu.sem_alloc : memref<!tpu.dma_semaphore, #tpu.memory_space<semaphore_mem>>
        %dma_start3A_100 = tpu.memref_slice %arg3[%run_scoped3A_60, %add3A_59] : memref<2x1600000xi32, #tpu.memory_space<hbm>> -> memref<1x800xi32, #tpu.memory_space<hbm>>
        %dma_start3A_101 = tpu.memref_squeeze %dma_start3A_100 : memref<1x800xi32, #tpu.memory_space<hbm>> -> memref<800xi32, #tpu.memory_space<hbm>>
        %dma_start3A_102 = tpu.memref_slice %arg3[%run_scoped3A_60, %add3A_59] : memref<2x1600000xi32, #tpu.memory_space<hbm>> -> memref<1x800xi32, #tpu.memory_space<hbm>>
        %dma_start3A_103 = tpu.memref_squeeze %dma_start3A_102 : memref<1x800xi32, #tpu.memory_space<hbm>> -> memref<800xi32, #tpu.memory_space<hbm>>
        tpu.enqueue_dma source(%dma_start3A_103 : memref<800xi32, #tpu.memory_space<hbm>>) target(%arg7 : memref<800xi32, #tpu.memory_space<vmem>>) target_semaphore(%run_scoped3A_99 : memref<!tpu.dma_semaphore, #tpu.memory_space<semaphore_mem>>)
        %dma_wait3A_104 = tpu.memref_slice %arg3[%run_scoped3A_60, %add3A_59] : memref<2x1600000xi32, #tpu.memory_space<hbm>> -> memref<1x800xi32, #tpu.memory_space<hbm>>
        %dma_wait3A_105 = tpu.memref_squeeze %dma_wait3A_104 : memref<1x800xi32, #tpu.memory_space<hbm>> -> memref<800xi32, #tpu.memory_space<hbm>>
        %dma_wait3A_106 = tpu.memref_slice %arg3[%run_scoped3A_60, %add3A_59] : memref<2x1600000xi32, #tpu.memory_space<hbm>> -> memref<1x800xi32, #tpu.memory_space<hbm>>
        %dma_wait3A_107 = tpu.memref_squeeze %dma_wait3A_106 : memref<1x800xi32, #tpu.memory_space<hbm>> -> memref<800xi32, #tpu.memory_space<hbm>>
        tpu.wait_dma2 semaphore(%run_scoped3A_99 : memref<!tpu.dma_semaphore, #tpu.memory_space<semaphore_mem>>) src(%dma_wait3A_107 : memref<800xi32, #tpu.memory_space<hbm>>) dst(%arg7 : memref<800xi32, #tpu.memory_space<vmem>>)
        tpu.yield
      }) : () -> ()
      %mul3A_61 = arith.constant 0 : i32
      %mul3A_62 = arith.muli %arg0, %mul3A_61 : i32
      %add3A_63 = arith.addi %mul3A_62, %add3A_56 : i32
      %run_scoped3A_64 = arith.constant 1 : i32
      "tpu.region"() ({
        %run_scoped3A_99 = tpu.sem_alloc : memref<!tpu.dma_semaphore, #tpu.memory_space<semaphore_mem>>
        %dma_start3A_100 = tpu.memref_slice %arg3[%run_scoped3A_64, %add3A_63] : memref<2x1600000xi32, #tpu.memory_space<hbm>> -> memref<1x800xi32, #tpu.memory_space<hbm>>
        %dma_start3A_101 = tpu.memref_squeeze %dma_start3A_100 : memref<1x800xi32, #tpu.memory_space<hbm>> -> memref<800xi32, #tpu.memory_space<hbm>>
        %dma_start3A_102 = tpu.memref_slice %arg3[%run_scoped3A_64, %add3A_63] : memref<2x1600000xi32, #tpu.memory_space<hbm>> -> memref<1x800xi32, #tpu.memory_space<hbm>>
        %dma_start3A_103 = tpu.memref_squeeze %dma_start3A_102 : memref<1x800xi32, #tpu.memory_space<hbm>> -> memref<800xi32, #tpu.memory_space<hbm>>
        tpu.enqueue_dma source(%dma_start3A_103 : memref<800xi32, #tpu.memory_space<hbm>>) target(%arg9 : memref<800xi32, #tpu.memory_space<vmem>>) target_semaphore(%run_scoped3A_99 : memref<!tpu.dma_semaphore, #tpu.memory_space<semaphore_mem>>)
        %dma_wait3A_104 = tpu.memref_slice %arg3[%run_scoped3A_64, %add3A_63] : memref<2x1600000xi32, #tpu.memory_space<hbm>> -> memref<1x800xi32, #tpu.memory_space<hbm>>
        %dma_wait3A_105 = tpu.memref_squeeze %dma_wait3A_104 : memref<1x800xi32, #tpu.memory_space<hbm>> -> memref<800xi32, #tpu.memory_space<hbm>>
        %dma_wait3A_106 = tpu.memref_slice %arg3[%run_scoped3A_64, %add3A_63] : memref<2x1600000xi32, #tpu.memory_space<hbm>> -> memref<1x800xi32, #tpu.memory_space<hbm>>
        %dma_wait3A_107 = tpu.memref_squeeze %dma_wait3A_106 : memref<1x800xi32, #tpu.memory_space<hbm>> -> memref<800xi32, #tpu.memory_space<hbm>>
        tpu.wait_dma2 semaphore(%run_scoped3A_99 : memref<!tpu.dma_semaphore, #tpu.memory_space<semaphore_mem>>) src(%dma_wait3A_107 : memref<800xi32, #tpu.memory_space<hbm>>) dst(%arg9 : memref<800xi32, #tpu.memory_space<vmem>>)
        tpu.yield
      }) : () -> ()
      %mul3A_65 = arith.constant 100352 : i32
      %mul3A_66 = arith.muli %arg0, %mul3A_65 : i32
      %broadcast_in_dim3A_67 = vector.broadcast %mul3A_66 : i32 to vector<16xi32>
      %scan3A_68 = arith.constant 0 : i32
      %scan3A_69 = arith.constant 0 : i32
      %scan3A_70 = arith.constant 50 : i32
      %scan3A_71 = arith.addi %scan3A_69, %scan3A_70 : i32
      %scan3A_72 = arith.constant 1 : i32
      scf.for %scan3A_99 = %scan3A_69 to %scan3A_71 step %scan3A_72  : i32 {
        %mul3A_100 = arith.constant 16 : i32
        %mul3A_101 = arith.muli %scan3A_99, %mul3A_100 : i32
        %get3A = arith.index_cast %mul3A_101 : i32 to index
        %get3A_102 = tpu.vector_load %arg7[%get3A] {strides = array<i32>} : memref<800xi32, #tpu.memory_space<vmem>>, vector<16xi32>,
        %get3A_103 = vector.shape_cast %get3A_102 : vector<16xi32> to vector<16xi32>
        %add3A_104 = arith.addi %get3A_103, %broadcast_in_dim3A_67 : vector<16xi32>
        %mul3A_105 = arith.constant 16 : i32
        %mul3A_106 = arith.muli %scan3A_99, %mul3A_105 : i32
        %swap3A = arith.index_cast %mul3A_106 : i32 to index
        %swap3A_107 = tpu.vector_load %arg7[%swap3A] {strides = array<i32>} : memref<800xi32, #tpu.memory_space<vmem>>, vector<16xi32>,
        %swap3A_108 = vector.shape_cast %swap3A_107 : vector<16xi32> to vector<16xi32>
        %swap3A_109 = vector.shape_cast %add3A_104 : vector<16xi32> to vector<16xi32>
        tpu.vector_store %arg7[%swap3A], %swap3A_109 {strides = array<i32>} : memref<800xi32, #tpu.memory_space<vmem>>, vector<16xi32>,
      }
      %scan3A_73 = arith.constant 50 : i32
      %dma_start3A_74 = arith.constant 0 : i32
      %dma_start3A_75 = arith.constant 0 : i32
      %dma_start3A_76 = tpu.memref_slice %arg2[%dma_start3A_74, %dma_start3A_75] : memref<200704x16xf32, #tpu.memory_space<hbm>> -> memref<200704x16xf32, #tpu.memory_space<hbm>>
      tpu.enqueue_indirect_dma source(%dma_start3A_76 : memref<200704x16xf32, #tpu.memory_space<hbm>>) target(%arg11 : memref<800x16xf32, #tpu.memory_space<vmem>>) offsets(%arg7 : memref<800xi32, #tpu.memory_space<vmem>>) semaphore(%arg14 : memref<!tpu.dma_semaphore, #tpu.memory_space<semaphore_mem>>)
      %dma_wait3A_77 = arith.constant 0 : i32
      %dma_wait3A_78 = arith.constant 0 : i32
      %dma_wait3A_79 = tpu.memref_slice %arg2[%dma_wait3A_77, %dma_wait3A_78] : memref<200704x16xf32, #tpu.memory_space<hbm>> -> memref<200704x16xf32, #tpu.memory_space<hbm>>
      tpu.wait_indirect_dma semaphore(%arg13 : memref<!tpu.dma_semaphore, #tpu.memory_space<semaphore_mem>>) src(%dma_wait3A_79 : memref<200704x16xf32, #tpu.memory_space<hbm>>) dst(%arg10 : memref<800x16xf32, #tpu.memory_space<vmem>>)
      %dma_start3A_80 = arith.constant 0 : i32
      %dma_start3A_81 = arith.constant 0 : i32
      %dma_start3A_82 = tpu.memref_slice %arg12[%dma_start3A_80, %dma_start3A_81] : memref<100352x16xf32, #tpu.memory_space<vmem_shared>> -> memref<100352x16xf32, #tpu.memory_space<vmem_shared>>
      tpu.enqueue_indirect_dma source(%arg10 : memref<800x16xf32, #tpu.memory_space<vmem>>) target(%dma_start3A_82 : memref<100352x16xf32, #tpu.memory_space<vmem_shared>>) offsets(%arg8 : memref<800xi32, #tpu.memory_space<vmem>>) semaphore(%arg15 : memref<!tpu.dma_semaphore, #tpu.memory_space<semaphore_mem>>) {add = true}
      %dma_wait3A_83 = arith.constant 0 : i32
      %dma_wait3A_84 = arith.constant 0 : i32
      %dma_wait3A_85 = tpu.memref_slice %arg12[%dma_wait3A_83, %dma_wait3A_84] : memref<100352x16xf32, #tpu.memory_space<vmem_shared>> -> memref<100352x16xf32, #tpu.memory_space<vmem_shared>>
      tpu.wait_indirect_dma semaphore(%arg15 : memref<!tpu.dma_semaphore, #tpu.memory_space<semaphore_mem>>) src(%arg10 : memref<800x16xf32, #tpu.memory_space<vmem>>) dst(%dma_wait3A_85 : memref<100352x16xf32, #tpu.memory_space<vmem_shared>>)
      %add3A_86 = arith.constant 2 : i32
      %add3A_87 = arith.addi %mul3A_49, %add3A_86 : i32
      %lt3A = arith.constant 125 : i32
      %lt3A_88 = arith.cmpi slt, %add3A_87, %lt3A : i32
      %convert_element_type3A = arith.extui %lt3A_88 : i1 to i32
      %cond3A = arith.constant 0 : i32
      %cond3A_89 = arith.cmpi ne, %convert_element_type3A, %cond3A : i32
      scf.if %cond3A_89 {
        %add3A_99 = arith.constant 2 : i32
        %add3A_100 = arith.addi %mul3A_49, %add3A_99 : i32
        %mul3A_101 = arith.constant 100000 : i32
        %mul3A_102 = arith.muli %arg1, %mul3A_101 : i32
        %mul3A_103 = arith.constant 800 : i32
        %mul3A_104 = arith.muli %add3A_100, %mul3A_103 : i32
        %add3A_105 = arith.addi %mul3A_102, %mul3A_104 : i32
        %mul3A_106 = arith.constant 0 : i32
        %mul3A_107 = arith.muli %arg0, %mul3A_106 : i32
        %add3A_108 = arith.addi %mul3A_107, %add3A_105 : i32
        %run_scoped3A_109 = arith.constant 0 : i32
        "tpu.region"() ({
          %run_scoped3A_126 = tpu.sem_alloc : memref<!tpu.dma_semaphore, #tpu.memory_space<semaphore_mem>>
          %dma_start3A_127 = tpu.memref_slice %arg3[%run_scoped3A_109, %add3A_108] : memref<2x1600000xi32, #tpu.memory_space<hbm>> -> memref<1x800xi32, #tpu.memory_space<hbm>>
          %dma_start3A_128 = tpu.memref_squeeze %dma_start3A_127 : memref<1x800xi32, #tpu.memory_space<hbm>> -> memref<800xi32, #tpu.memory_space<hbm>>
          %dma_start3A_129 = tpu.memref_slice %arg3[%run_scoped3A_109, %add3A_108] : memref<2x1600000xi32, #tpu.memory_space<hbm>> -> memref<1x800xi32, #tpu.memory_space<hbm>>
          %dma_start3A_130 = tpu.memref_squeeze %dma_start3A_129 : memref<1x800xi32, #tpu.memory_space<hbm>> -> memref<800xi32, #tpu.memory_space<hbm>>
          tpu.enqueue_dma source(%dma_start3A_130 : memref<800xi32, #tpu.memory_space<hbm>>) target(%arg6 : memref<800xi32, #tpu.memory_space<vmem>>) target_semaphore(%run_scoped3A_126 : memref<!tpu.dma_semaphore, #tpu.memory_space<semaphore_mem>>)
          %dma_wait3A_131 = tpu.memref_slice %arg3[%run_scoped3A_109, %add3A_108] : memref<2x1600000xi32, #tpu.memory_space<hbm>> -> memref<1x800xi32, #tpu.memory_space<hbm>>
          %dma_wait3A_132 = tpu.memref_squeeze %dma_wait3A_131 : memref<1x800xi32, #tpu.memory_space<hbm>> -> memref<800xi32, #tpu.memory_space<hbm>>
          %dma_wait3A_133 = tpu.memref_slice %arg3[%run_scoped3A_109, %add3A_108] : memref<2x1600000xi32, #tpu.memory_space<hbm>> -> memref<1x800xi32, #tpu.memory_space<hbm>>
          %dma_wait3A_134 = tpu.memref_squeeze %dma_wait3A_133 : memref<1x800xi32, #tpu.memory_space<hbm>> -> memref<800xi32, #tpu.memory_space<hbm>>
          tpu.wait_dma2 semaphore(%run_scoped3A_126 : memref<!tpu.dma_semaphore, #tpu.memory_space<semaphore_mem>>) src(%dma_wait3A_134 : memref<800xi32, #tpu.memory_space<hbm>>) dst(%arg6 : memref<800xi32, #tpu.memory_space<vmem>>)
          tpu.yield
        }) : () -> ()
        %mul3A_110 = arith.constant 0 : i32
        %mul3A_111 = arith.muli %arg0, %mul3A_110 : i32
        %add3A_112 = arith.addi %mul3A_111, %add3A_105 : i32
        %run_scoped3A_113 = arith.constant 1 : i32
        "tpu.region"() ({
          %run_scoped3A_126 = tpu.sem_alloc : memref<!tpu.dma_semaphore, #tpu.memory_space<semaphore_mem>>
          %dma_start3A_127 = tpu.memref_slice %arg3[%run_scoped3A_113, %add3A_112] : memref<2x1600000xi32, #tpu.memory_space<hbm>> -> memref<1x800xi32, #tpu.memory_space<hbm>>
          %dma_start3A_128 = tpu.memref_squeeze %dma_start3A_127 : memref<1x800xi32, #tpu.memory_space<hbm>> -> memref<800xi32, #tpu.memory_space<hbm>>
          %dma_start3A_129 = tpu.memref_slice %arg3[%run_scoped3A_113, %add3A_112] : memref<2x1600000xi32, #tpu.memory_space<hbm>> -> memref<1x800xi32, #tpu.memory_space<hbm>>
          %dma_start3A_130 = tpu.memref_squeeze %dma_start3A_129 : memref<1x800xi32, #tpu.memory_space<hbm>> -> memref<800xi32, #tpu.memory_space<hbm>>
          tpu.enqueue_dma source(%dma_start3A_130 : memref<800xi32, #tpu.memory_space<hbm>>) target(%arg8 : memref<800xi32, #tpu.memory_space<vmem>>) target_semaphore(%run_scoped3A_126 : memref<!tpu.dma_semaphore, #tpu.memory_space<semaphore_mem>>)
          %dma_wait3A_131 = tpu.memref_slice %arg3[%run_scoped3A_113, %add3A_112] : memref<2x1600000xi32, #tpu.memory_space<hbm>> -> memref<1x800xi32, #tpu.memory_space<hbm>>
          %dma_wait3A_132 = tpu.memref_squeeze %dma_wait3A_131 : memref<1x800xi32, #tpu.memory_space<hbm>> -> memref<800xi32, #tpu.memory_space<hbm>>
          %dma_wait3A_133 = tpu.memref_slice %arg3[%run_scoped3A_113, %add3A_112] : memref<2x1600000xi32, #tpu.memory_space<hbm>> -> memref<1x800xi32, #tpu.memory_space<hbm>>
          %dma_wait3A_134 = tpu.memref_squeeze %dma_wait3A_133 : memref<1x800xi32, #tpu.memory_space<hbm>> -> memref<800xi32, #tpu.memory_space<hbm>>
          tpu.wait_dma2 semaphore(%run_scoped3A_126 : memref<!tpu.dma_semaphore, #tpu.memory_space<semaphore_mem>>) src(%dma_wait3A_134 : memref<800xi32, #tpu.memory_space<hbm>>) dst(%arg8 : memref<800xi32, #tpu.memory_space<vmem>>)
          tpu.yield
        }) : () -> ()
        %mul3A_114 = arith.constant 100352 : i32
        %mul3A_115 = arith.muli %arg0, %mul3A_114 : i32
        %broadcast_in_dim3A_116 = vector.broadcast %mul3A_115 : i32 to vector<16xi32>
        %scan3A_117 = arith.constant 0 : i32
        %scan3A_118 = arith.constant 0 : i32
        %scan3A_119 = arith.constant 50 : i32
        %scan3A_120 = arith.addi %scan3A_118, %scan3A_119 : i32
        %scan3A_121 = arith.constant 1 : i32
        scf.for %scan3A_126 = %scan3A_118 to %scan3A_120 step %scan3A_121  : i32 {
          %mul3A_127 = arith.constant 16 : i32
          %mul3A_128 = arith.muli %scan3A_126, %mul3A_127 : i32
          %get3A = arith.index_cast %mul3A_128 : i32 to index
          %get3A_129 = tpu.vector_load %arg6[%get3A] {strides = array<i32>} : memref<800xi32, #tpu.memory_space<vmem>>, vector<16xi32>,
          %get3A_130 = vector.shape_cast %get3A_129 : vector<16xi32> to vector<16xi32>
          %add3A_131 = arith.addi %get3A_130, %broadcast_in_dim3A_116 : vector<16xi32>
          %mul3A_132 = arith.constant 16 : i32
          %mul3A_133 = arith.muli %scan3A_126, %mul3A_132 : i32
          %swap3A = arith.index_cast %mul3A_133 : i32 to index
          %swap3A_134 = tpu.vector_load %arg6[%swap3A] {strides = array<i32>} : memref<800xi32, #tpu.memory_space<vmem>>, vector<16xi32>,
          %swap3A_135 = vector.shape_cast %swap3A_134 : vector<16xi32> to vector<16xi32>
          %swap3A_136 = vector.shape_cast %add3A_131 : vector<16xi32> to vector<16xi32>
          tpu.vector_store %arg6[%swap3A], %swap3A_136 {strides = array<i32>} : memref<800xi32, #tpu.memory_space<vmem>>, vector<16xi32>,
        }
        %scan3A_122 = arith.constant 50 : i32
        %dma_start3A_123 = arith.constant 0 : i32
        %dma_start3A_124 = arith.constant 0 : i32
        %dma_start3A_125 = tpu.memref_slice %arg2[%dma_start3A_123, %dma_start3A_124] : memref<200704x16xf32, #tpu.memory_space<hbm>> -> memref<200704x16xf32, #tpu.memory_space<hbm>>
        tpu.enqueue_indirect_dma source(%dma_start3A_125 : memref<200704x16xf32, #tpu.memory_space<hbm>>) target(%arg10 : memref<800x16xf32, #tpu.memory_space<vmem>>) offsets(%arg6 : memref<800xi32, #tpu.memory_space<vmem>>) semaphore(%arg13 : memref<!tpu.dma_semaphore, #tpu.memory_space<semaphore_mem>>)
      } else {
      }
      %dma_wait3A_90 = arith.constant 0 : i32
      %dma_wait3A_91 = arith.constant 0 : i32
      %dma_wait3A_92 = tpu.memref_slice %arg2[%dma_wait3A_90, %dma_wait3A_91] : memref<200704x16xf32, #tpu.memory_space<hbm>> -> memref<200704x16xf32, #tpu.memory_space<hbm>>
      tpu.wait_indirect_dma semaphore(%arg14 : memref<!tpu.dma_semaphore, #tpu.memory_space<semaphore_mem>>) src(%dma_wait3A_92 : memref<200704x16xf32, #tpu.memory_space<hbm>>) dst(%arg11 : memref<800x16xf32, #tpu.memory_space<vmem>>)
      %dma_start3A_93 = arith.constant 0 : i32
      %dma_start3A_94 = arith.constant 0 : i32
      %dma_start3A_95 = tpu.memref_slice %arg12[%dma_start3A_93, %dma_start3A_94] : memref<100352x16xf32, #tpu.memory_space<vmem_shared>> -> memref<100352x16xf32, #tpu.memory_space<vmem_shared>>
      tpu.enqueue_indirect_dma source(%arg11 : memref<800x16xf32, #tpu.memory_space<vmem>>) target(%dma_start3A_95 : memref<100352x16xf32, #tpu.memory_space<vmem_shared>>) offsets(%arg9 : memref<800xi32, #tpu.memory_space<vmem>>) semaphore(%arg16 : memref<!tpu.dma_semaphore, #tpu.memory_space<semaphore_mem>>) {add = true}
      %dma_wait3A_96 = arith.constant 0 : i32
      %dma_wait3A_97 = arith.constant 0 : i32
      %dma_wait3A_98 = tpu.memref_slice %arg12[%dma_wait3A_96, %dma_wait3A_97] : memref<100352x16xf32, #tpu.memory_space<vmem_shared>> -> memref<100352x16xf32, #tpu.memory_space<vmem_shared>>
      tpu.wait_indirect_dma semaphore(%arg16 : memref<!tpu.dma_semaphore, #tpu.memory_space<semaphore_mem>>) src(%arg11 : memref<800x16xf32, #tpu.memory_space<vmem>>) dst(%dma_wait3A_98 : memref<100352x16xf32, #tpu.memory_space<vmem_shared>>)
    }
    %scan3A_37 = arith.constant 62 : i32
    %dma_wait3A = arith.constant 0 : i32
    %dma_wait3A_38 = arith.constant 0 : i32
    %dma_wait3A_39 = tpu.memref_slice %arg2[%dma_wait3A, %dma_wait3A_38] : memref<200704x16xf32, #tpu.memory_space<hbm>> -> memref<200704x16xf32, #tpu.memory_space<hbm>>
    tpu.wait_indirect_dma semaphore(%arg13 : memref<!tpu.dma_semaphore, #tpu.memory_space<semaphore_mem>>) src(%dma_wait3A_39 : memref<200704x16xf32, #tpu.memory_space<hbm>>) dst(%arg10 : memref<800x16xf32, #tpu.memory_space<vmem>>)
    %dma_start3A_40 = arith.constant 0 : i32
    %dma_start3A_41 = arith.constant 0 : i32
    %dma_start3A_42 = tpu.memref_slice %arg12[%dma_start3A_40, %dma_start3A_41] : memref<100352x16xf32, #tpu.memory_space<vmem_shared>> -> memref<100352x16xf32, #tpu.memory_space<vmem_shared>>
    tpu.enqueue_indirect_dma source(%arg10 : memref<800x16xf32, #tpu.memory_space<vmem>>) target(%dma_start3A_42 : memref<100352x16xf32, #tpu.memory_space<vmem_shared>>) offsets(%arg8 : memref<800xi32, #tpu.memory_space<vmem>>) semaphore(%arg15 : memref<!tpu.dma_semaphore, #tpu.memory_space<semaphore_mem>>) {add = true}
    %dma_wait3A_43 = arith.constant 0 : i32
    %dma_wait3A_44 = arith.constant 0 : i32
    %dma_wait3A_45 = tpu.memref_slice %arg12[%dma_wait3A_43, %dma_wait3A_44] : memref<100352x16xf32, #tpu.memory_space<vmem_shared>> -> memref<100352x16xf32, #tpu.memory_space<vmem_shared>>
    tpu.wait_indirect_dma semaphore(%arg15 : memref<!tpu.dma_semaphore, #tpu.memory_space<semaphore_mem>>) src(%arg10 : memref<800x16xf32, #tpu.memory_space<vmem>>) dst(%dma_wait3A_45 : memref<100352x16xf32, #tpu.memory_space<vmem_shared>>)
    %barrier3A_46 = arith.constant 0 : index
    tpu.barrier barrier_id(%barrier3A_46)
    "tpu.region"() ({
      %run_scoped3A_47 = tpu.sem_alloc : memref<!tpu.dma_semaphore, #tpu.memory_space<semaphore_mem>>
      %dma_start3A_48 = arith.constant 0 : i32
      %dma_start3A_49 = tpu.memref_slice %arg5[%arg0, %mul3A_0, %dma_start3A_48] : memref<2x100352x16xf32, #tpu.memory_space<hbm>> -> memref<1x6272x16xf32, #tpu.memory_space<hbm>>
      %dma_start3A_50 = tpu.memref_squeeze %dma_start3A_49 : memref<1x6272x16xf32, #tpu.memory_space<hbm>> -> memref<6272x16xf32, #tpu.memory_space<hbm>>
      %dma_start3A_51 = arith.constant 0 : i32
      %dma_start3A_52 = tpu.memref_slice %arg12[%mul3A_0, %dma_start3A_51] : memref<100352x16xf32, #tpu.memory_space<vmem_shared>> -> memref<6272x16xf32, #tpu.memory_space<vmem_shared>>
      tpu.enqueue_dma source(%dma_start3A_52 : memref<6272x16xf32, #tpu.memory_space<vmem_shared>>) target(%dma_start3A_50 : memref<6272x16xf32, #tpu.memory_space<hbm>>) target_semaphore(%run_scoped3A_47 : memref<!tpu.dma_semaphore, #tpu.memory_space<semaphore_mem>>)
      %dma_wait3A_53 = arith.constant 0 : i32
      %dma_wait3A_54 = tpu.memref_slice %arg5[%arg0, %mul3A_0, %dma_wait3A_53] : memref<2x100352x16xf32, #tpu.memory_space<hbm>> -> memref<1x6272x16xf32, #tpu.memory_space<hbm>>
      %dma_wait3A_55 = tpu.memref_squeeze %dma_wait3A_54 : memref<1x6272x16xf32, #tpu.memory_space<hbm>> -> memref<6272x16xf32, #tpu.memory_space<hbm>>
      %dma_wait3A_56 = arith.constant 0 : i32
      %dma_wait3A_57 = tpu.memref_slice %arg12[%mul3A_0, %dma_wait3A_56] : memref<100352x16xf32, #tpu.memory_space<vmem_shared>> -> memref<6272x16xf32, #tpu.memory_space<vmem_shared>>
      tpu.wait_dma2 semaphore(%run_scoped3A_47 : memref<!tpu.dma_semaphore, #tpu.memory_space<semaphore_mem>>) src(%dma_wait3A_57 : memref<6272x16xf32, #tpu.memory_space<vmem_shared>>) dst(%dma_wait3A_55 : memref<6272x16xf32, #tpu.memory_space<hbm>>)
      tpu.yield
    }) : () -> ()
    return
  }
}

#map = affine_map<(d0, d1) -> (0, 0)>
module attributes {stable_mosaic.version = 14 : i64} {
  func.func @k(%arg0: i32, %arg1: i32, %arg2: memref<2x1600000xi32, #tpu.memory_space<hbm>>, %arg3: memref<2x100352xf32, #tpu.memory_space<hbm>>, %arg4: memref<2000xi32, #tpu.memory_space<vmem>>, %arg5: memref<2000xi32, #tpu.memory_space<vmem>>, %arg6: memref<2000xf32, #tpu.memory_space<vmem>>, %arg7: memref<784xf32, #tpu.memory_space<vmem>>, %arg8: memref<100352xf32, #tpu.memory_space<vmem_shared>>, %arg9: memref<!tpu.dma_semaphore, #tpu.memory_space<semaphore_mem>>, %arg10: memref<!tpu.dma_semaphore, #tpu.memory_space<semaphore_mem>>) attributes {dimension_semantics = [#tpu.dimension_semantics<core_parallel>, #tpu.dimension_semantics<subcore_parallel>], iteration_bounds = array<i64: 2, 16>, scalar_prefetch = 0 : i64, scratch_operands = 7 : i64, tpu.core_type = #tpu.core_type<sc_vector_subcore>, window_params = [{transform_indices = #map}, {transform_indices = #map}]} {
    %mul3A = arith.constant 6272 : i32
    %mul3A_0 = arith.muli %arg1, %mul3A : i32
    %scan3A = arith.constant 0 : i32
    %scan3A_1 = arith.constant 0 : i32
    %scan3A_2 = arith.constant 125 : i32
    %scan3A_3 = arith.addi %scan3A_1, %scan3A_2 : i32
    %scan3A_4 = arith.constant 1 : i32
    scf.for %scan3A_33 = %scan3A_1 to %scan3A_3 step %scan3A_4  : i32 {
      %broadcast_in_dim3A = arith.constant 1.000000e+00 : f32
      %broadcast_in_dim3A_34 = vector.broadcast %broadcast_in_dim3A : f32 to vector<16xf32>
      %mul3A_35 = arith.constant 16 : i32
      %mul3A_36 = arith.muli %scan3A_33, %mul3A_35 : i32
      %swap3A = arith.index_cast %mul3A_36 : i32 to index
      %swap3A_37 = tpu.vector_load %arg6[%swap3A] {strides = array<i32>} : memref<2000xf32, #tpu.memory_space<vmem>>, vector<16xf32>,
      %swap3A_38 = vector.shape_cast %swap3A_37 : vector<16xf32> to vector<16xf32>
      %swap3A_39 = vector.shape_cast %broadcast_in_dim3A_34 : vector<16xf32> to vector<16xf32>
      tpu.vector_store %arg6[%swap3A], %swap3A_39 {strides = array<i32>} : memref<2000xf32, #tpu.memory_space<vmem>>, vector<16xf32>,
    }
    %scan3A_5 = arith.constant 125 : i32
    %scan3A_6 = arith.constant 0 : i32
    %scan3A_7 = arith.constant 0 : i32
    %scan3A_8 = arith.constant 49 : i32
    %scan3A_9 = arith.addi %scan3A_7, %scan3A_8 : i32
    %scan3A_10 = arith.constant 1 : i32
    scf.for %scan3A_33 = %scan3A_7 to %scan3A_9 step %scan3A_10  : i32 {
      %broadcast_in_dim3A = arith.constant 0.000000e+00 : f32
      %broadcast_in_dim3A_34 = vector.broadcast %broadcast_in_dim3A : f32 to vector<16xf32>
      %mul3A_35 = arith.constant 16 : i32
      %mul3A_36 = arith.muli %scan3A_33, %mul3A_35 : i32
      %swap3A = arith.index_cast %mul3A_36 : i32 to index
      %swap3A_37 = tpu.vector_load %arg7[%swap3A] {strides = array<i32>} : memref<784xf32, #tpu.memory_space<vmem>>, vector<16xf32>,
      %swap3A_38 = vector.shape_cast %swap3A_37 : vector<16xf32> to vector<16xf32>
      %swap3A_39 = vector.shape_cast %broadcast_in_dim3A_34 : vector<16xf32> to vector<16xf32>
      tpu.vector_store %arg7[%swap3A], %swap3A_39 {strides = array<i32>} : memref<784xf32, #tpu.memory_space<vmem>>, vector<16xf32>,
    }
    %scan3A_11 = arith.constant 49 : i32
    %scan3A_12 = arith.constant 0 : i32
    %scan3A_13 = arith.constant 0 : i32
    %scan3A_14 = arith.constant 8 : i32
    %scan3A_15 = arith.addi %scan3A_13, %scan3A_14 : i32
    %scan3A_16 = arith.constant 1 : i32
    scf.for %scan3A_33 = %scan3A_13 to %scan3A_15 step %scan3A_16  : i32 {
      %mul3A_34 = arith.constant 784 : i32
      %mul3A_35 = arith.muli %scan3A_33, %mul3A_34 : i32
      %add3A_36 = arith.addi %mul3A_0, %mul3A_35 : i32
      "tpu.region"() ({
        %run_scoped3A_37 = tpu.sem_alloc : memref<!tpu.dma_semaphore, #tpu.memory_space<semaphore_mem>>
        %dma_start3A_38 = tpu.memref_slice %arg8[%add3A_36] : memref<100352xf32, #tpu.memory_space<vmem_shared>> -> memref<784xf32, #tpu.memory_space<vmem_shared>>
        %dma_start3A_39 = tpu.memref_slice %arg8[%add3A_36] : memref<100352xf32, #tpu.memory_space<vmem_shared>> -> memref<784xf32, #tpu.memory_space<vmem_shared>>
        tpu.enqueue_dma source(%arg7 : memref<784xf32, #tpu.memory_space<vmem>>) target(%dma_start3A_39 : memref<784xf32, #tpu.memory_space<vmem_shared>>) target_semaphore(%run_scoped3A_37 : memref<!tpu.dma_semaphore, #tpu.memory_space<semaphore_mem>>)
        %dma_wait3A_40 = tpu.memref_slice %arg8[%add3A_36] : memref<100352xf32, #tpu.memory_space<vmem_shared>> -> memref<784xf32, #tpu.memory_space<vmem_shared>>
        %dma_wait3A_41 = tpu.memref_slice %arg8[%add3A_36] : memref<100352xf32, #tpu.memory_space<vmem_shared>> -> memref<784xf32, #tpu.memory_space<vmem_shared>>
        tpu.wait_dma2 semaphore(%run_scoped3A_37 : memref<!tpu.dma_semaphore, #tpu.memory_space<semaphore_mem>>) src(%arg7 : memref<784xf32, #tpu.memory_space<vmem>>) dst(%dma_wait3A_41 : memref<784xf32, #tpu.memory_space<vmem_shared>>)
        tpu.yield
      }) : () -> ()
    }
    %scan3A_17 = arith.constant 8 : i32
    %barrier3A = arith.constant 0 : index
    tpu.barrier barrier_id(%barrier3A)
    %mul3A_18 = arith.constant 16 : i32
    %mul3A_19 = arith.muli %arg0, %mul3A_18 : i32
    %add3A = arith.addi %mul3A_19, %arg1 : i32
    %mul3A_20 = arith.constant 50000 : i32
    %mul3A_21 = arith.muli %add3A, %mul3A_20 : i32
    %add3A_22 = arith.constant 0 : i32
    %add3A_23 = arith.addi %mul3A_21, %add3A_22 : i32
    %run_scoped3A = arith.constant 1 : i32
    "tpu.region"() ({
      %run_scoped3A_33 = tpu.sem_alloc : memref<!tpu.dma_semaphore, #tpu.memory_space<semaphore_mem>>
      %dma_start3A_34 = tpu.memref_slice %arg2[%run_scoped3A, %add3A_23] : memref<2x1600000xi32, #tpu.memory_space<hbm>> -> memref<1x2000xi32, #tpu.memory_space<hbm>>
      %dma_start3A_35 = tpu.memref_squeeze %dma_start3A_34 : memref<1x2000xi32, #tpu.memory_space<hbm>> -> memref<2000xi32, #tpu.memory_space<hbm>>
      %dma_start3A_36 = tpu.memref_slice %arg2[%run_scoped3A, %add3A_23] : memref<2x1600000xi32, #tpu.memory_space<hbm>> -> memref<1x2000xi32, #tpu.memory_space<hbm>>
      %dma_start3A_37 = tpu.memref_squeeze %dma_start3A_36 : memref<1x2000xi32, #tpu.memory_space<hbm>> -> memref<2000xi32, #tpu.memory_space<hbm>>
      tpu.enqueue_dma source(%dma_start3A_37 : memref<2000xi32, #tpu.memory_space<hbm>>) target(%arg4 : memref<2000xi32, #tpu.memory_space<vmem>>) target_semaphore(%run_scoped3A_33 : memref<!tpu.dma_semaphore, #tpu.memory_space<semaphore_mem>>)
      %dma_wait3A_38 = tpu.memref_slice %arg2[%run_scoped3A, %add3A_23] : memref<2x1600000xi32, #tpu.memory_space<hbm>> -> memref<1x2000xi32, #tpu.memory_space<hbm>>
      %dma_wait3A_39 = tpu.memref_squeeze %dma_wait3A_38 : memref<1x2000xi32, #tpu.memory_space<hbm>> -> memref<2000xi32, #tpu.memory_space<hbm>>
      %dma_wait3A_40 = tpu.memref_slice %arg2[%run_scoped3A, %add3A_23] : memref<2x1600000xi32, #tpu.memory_space<hbm>> -> memref<1x2000xi32, #tpu.memory_space<hbm>>
      %dma_wait3A_41 = tpu.memref_squeeze %dma_wait3A_40 : memref<1x2000xi32, #tpu.memory_space<hbm>> -> memref<2000xi32, #tpu.memory_space<hbm>>
      tpu.wait_dma2 semaphore(%run_scoped3A_33 : memref<!tpu.dma_semaphore, #tpu.memory_space<semaphore_mem>>) src(%dma_wait3A_41 : memref<2000xi32, #tpu.memory_space<hbm>>) dst(%arg4 : memref<2000xi32, #tpu.memory_space<vmem>>)
      tpu.yield
    }) : () -> ()
    %scan3A_24 = arith.constant 0 : i32
    %scan3A_25 = arith.constant 0 : i32
    %scan3A_26 = arith.constant 12 : i32
    %scan3A_27 = arith.addi %scan3A_25, %scan3A_26 : i32
    %scan3A_28 = arith.constant 1 : i32
    scf.for %scan3A_33 = %scan3A_25 to %scan3A_27 step %scan3A_28  : i32 {
      %mul3A_34 = arith.constant 2 : i32
      %mul3A_35 = arith.muli %mul3A_34, %scan3A_33 : i32
      %add3A_36 = arith.constant 1 : i32
      %add3A_37 = arith.addi %mul3A_35, %add3A_36 : i32
      %mul3A_38 = arith.constant 16 : i32
      %mul3A_39 = arith.muli %arg0, %mul3A_38 : i32
      %add3A_40 = arith.addi %mul3A_39, %arg1 : i32
      %mul3A_41 = arith.constant 50000 : i32
      %mul3A_42 = arith.muli %add3A_40, %mul3A_41 : i32
      %mul3A_43 = arith.constant 2000 : i32
      %mul3A_44 = arith.muli %add3A_37, %mul3A_43 : i32
      %add3A_45 = arith.addi %mul3A_42, %mul3A_44 : i32
      %run_scoped3A_46 = arith.constant 1 : i32
      "tpu.region"() ({
        %run_scoped3A_59 = tpu.sem_alloc : memref<!tpu.dma_semaphore, #tpu.memory_space<semaphore_mem>>
        %dma_start3A_60 = tpu.memref_slice %arg2[%run_scoped3A_46, %add3A_45] : memref<2x1600000xi32, #tpu.memory_space<hbm>> -> memref<1x2000xi32, #tpu.memory_space<hbm>>
        %dma_start3A_61 = tpu.memref_squeeze %dma_start3A_60 : memref<1x2000xi32, #tpu.memory_space<hbm>> -> memref<2000xi32, #tpu.memory_space<hbm>>
        %dma_start3A_62 = tpu.memref_slice %arg2[%run_scoped3A_46, %add3A_45] : memref<2x1600000xi32, #tpu.memory_space<hbm>> -> memref<1x2000xi32, #tpu.memory_space<hbm>>
        %dma_start3A_63 = tpu.memref_squeeze %dma_start3A_62 : memref<1x2000xi32, #tpu.memory_space<hbm>> -> memref<2000xi32, #tpu.memory_space<hbm>>
        tpu.enqueue_dma source(%dma_start3A_63 : memref<2000xi32, #tpu.memory_space<hbm>>) target(%arg5 : memref<2000xi32, #tpu.memory_space<vmem>>) target_semaphore(%run_scoped3A_59 : memref<!tpu.dma_semaphore, #tpu.memory_space<semaphore_mem>>)
        %dma_wait3A_64 = tpu.memref_slice %arg2[%run_scoped3A_46, %add3A_45] : memref<2x1600000xi32, #tpu.memory_space<hbm>> -> memref<1x2000xi32, #tpu.memory_space<hbm>>
        %dma_wait3A_65 = tpu.memref_squeeze %dma_wait3A_64 : memref<1x2000xi32, #tpu.memory_space<hbm>> -> memref<2000xi32, #tpu.memory_space<hbm>>
        %dma_wait3A_66 = tpu.memref_slice %arg2[%run_scoped3A_46, %add3A_45] : memref<2x1600000xi32, #tpu.memory_space<hbm>> -> memref<1x2000xi32, #tpu.memory_space<hbm>>
        %dma_wait3A_67 = tpu.memref_squeeze %dma_wait3A_66 : memref<1x2000xi32, #tpu.memory_space<hbm>> -> memref<2000xi32, #tpu.memory_space<hbm>>
        tpu.wait_dma2 semaphore(%run_scoped3A_59 : memref<!tpu.dma_semaphore, #tpu.memory_space<semaphore_mem>>) src(%dma_wait3A_67 : memref<2000xi32, #tpu.memory_space<hbm>>) dst(%arg5 : memref<2000xi32, #tpu.memory_space<vmem>>)
        tpu.yield
      }) : () -> ()
      %dma_start3A_47 = arith.constant 0 : i32
      %dma_start3A_48 = tpu.memref_slice %arg8[%dma_start3A_47] : memref<100352xf32, #tpu.memory_space<vmem_shared>> -> memref<100352xf32, #tpu.memory_space<vmem_shared>>
      tpu.enqueue_indirect_dma source(%arg6 : memref<2000xf32, #tpu.memory_space<vmem>>) target(%dma_start3A_48 : memref<100352xf32, #tpu.memory_space<vmem_shared>>) offsets(%arg4 : memref<2000xi32, #tpu.memory_space<vmem>>) semaphore(%arg9 : memref<!tpu.dma_semaphore, #tpu.memory_space<semaphore_mem>>) {add = true}
      %dma_wait3A_49 = arith.constant 0 : i32
      %dma_wait3A_50 = tpu.memref_slice %arg8[%dma_wait3A_49] : memref<100352xf32, #tpu.memory_space<vmem_shared>> -> memref<100352xf32, #tpu.memory_space<vmem_shared>>
      tpu.wait_indirect_dma semaphore(%arg9 : memref<!tpu.dma_semaphore, #tpu.memory_space<semaphore_mem>>) src(%arg6 : memref<2000xf32, #tpu.memory_space<vmem>>) dst(%dma_wait3A_50 : memref<100352xf32, #tpu.memory_space<vmem_shared>>)
      %add3A_51 = arith.constant 2 : i32
      %add3A_52 = arith.addi %mul3A_35, %add3A_51 : i32
      %lt3A = arith.constant 25 : i32
      %lt3A_53 = arith.cmpi slt, %add3A_52, %lt3A : i32
      %convert_element_type3A = arith.extui %lt3A_53 : i1 to i32
      %cond3A = arith.constant 0 : i32
      %cond3A_54 = arith.cmpi ne, %convert_element_type3A, %cond3A : i32
      scf.if %cond3A_54 {
        %add3A_59 = arith.constant 2 : i32
        %add3A_60 = arith.addi %mul3A_35, %add3A_59 : i32
        %mul3A_61 = arith.constant 16 : i32
        %mul3A_62 = arith.muli %arg0, %mul3A_61 : i32
        %add3A_63 = arith.addi %mul3A_62, %arg1 : i32
        %mul3A_64 = arith.constant 50000 : i32
        %mul3A_65 = arith.muli %add3A_63, %mul3A_64 : i32
        %mul3A_66 = arith.constant 2000 : i32
        %mul3A_67 = arith.muli %add3A_60, %mul3A_66 : i32
        %add3A_68 = arith.addi %mul3A_65, %mul3A_67 : i32
        %run_scoped3A_69 = arith.constant 1 : i32
        "tpu.region"() ({
          %run_scoped3A_70 = tpu.sem_alloc : memref<!tpu.dma_semaphore, #tpu.memory_space<semaphore_mem>>
          %dma_start3A_71 = tpu.memref_slice %arg2[%run_scoped3A_69, %add3A_68] : memref<2x1600000xi32, #tpu.memory_space<hbm>> -> memref<1x2000xi32, #tpu.memory_space<hbm>>
          %dma_start3A_72 = tpu.memref_squeeze %dma_start3A_71 : memref<1x2000xi32, #tpu.memory_space<hbm>> -> memref<2000xi32, #tpu.memory_space<hbm>>
          %dma_start3A_73 = tpu.memref_slice %arg2[%run_scoped3A_69, %add3A_68] : memref<2x1600000xi32, #tpu.memory_space<hbm>> -> memref<1x2000xi32, #tpu.memory_space<hbm>>
          %dma_start3A_74 = tpu.memref_squeeze %dma_start3A_73 : memref<1x2000xi32, #tpu.memory_space<hbm>> -> memref<2000xi32, #tpu.memory_space<hbm>>
          tpu.enqueue_dma source(%dma_start3A_74 : memref<2000xi32, #tpu.memory_space<hbm>>) target(%arg4 : memref<2000xi32, #tpu.memory_space<vmem>>) target_semaphore(%run_scoped3A_70 : memref<!tpu.dma_semaphore, #tpu.memory_space<semaphore_mem>>)
          %dma_wait3A_75 = tpu.memref_slice %arg2[%run_scoped3A_69, %add3A_68] : memref<2x1600000xi32, #tpu.memory_space<hbm>> -> memref<1x2000xi32, #tpu.memory_space<hbm>>
          %dma_wait3A_76 = tpu.memref_squeeze %dma_wait3A_75 : memref<1x2000xi32, #tpu.memory_space<hbm>> -> memref<2000xi32, #tpu.memory_space<hbm>>
          %dma_wait3A_77 = tpu.memref_slice %arg2[%run_scoped3A_69, %add3A_68] : memref<2x1600000xi32, #tpu.memory_space<hbm>> -> memref<1x2000xi32, #tpu.memory_space<hbm>>
          %dma_wait3A_78 = tpu.memref_squeeze %dma_wait3A_77 : memref<1x2000xi32, #tpu.memory_space<hbm>> -> memref<2000xi32, #tpu.memory_space<hbm>>
          tpu.wait_dma2 semaphore(%run_scoped3A_70 : memref<!tpu.dma_semaphore, #tpu.memory_space<semaphore_mem>>) src(%dma_wait3A_78 : memref<2000xi32, #tpu.memory_space<hbm>>) dst(%arg4 : memref<2000xi32, #tpu.memory_space<vmem>>)
          tpu.yield
        }) : () -> ()
      } else {
      }
      %dma_start3A_55 = arith.constant 0 : i32
      %dma_start3A_56 = tpu.memref_slice %arg8[%dma_start3A_55] : memref<100352xf32, #tpu.memory_space<vmem_shared>> -> memref<100352xf32, #tpu.memory_space<vmem_shared>>
      tpu.enqueue_indirect_dma source(%arg6 : memref<2000xf32, #tpu.memory_space<vmem>>) target(%dma_start3A_56 : memref<100352xf32, #tpu.memory_space<vmem_shared>>) offsets(%arg5 : memref<2000xi32, #tpu.memory_space<vmem>>) semaphore(%arg10 : memref<!tpu.dma_semaphore, #tpu.memory_space<semaphore_mem>>) {add = true}
      %dma_wait3A_57 = arith.constant 0 : i32
      %dma_wait3A_58 = tpu.memref_slice %arg8[%dma_wait3A_57] : memref<100352xf32, #tpu.memory_space<vmem_shared>> -> memref<100352xf32, #tpu.memory_space<vmem_shared>>
      tpu.wait_indirect_dma semaphore(%arg10 : memref<!tpu.dma_semaphore, #tpu.memory_space<semaphore_mem>>) src(%arg6 : memref<2000xf32, #tpu.memory_space<vmem>>) dst(%dma_wait3A_58 : memref<100352xf32, #tpu.memory_space<vmem_shared>>)
    }
    %scan3A_29 = arith.constant 12 : i32
    %dma_start3A = arith.constant 0 : i32
    %dma_start3A_30 = tpu.memref_slice %arg8[%dma_start3A] : memref<100352xf32, #tpu.memory_space<vmem_shared>> -> memref<100352xf32, #tpu.memory_space<vmem_shared>>
    tpu.enqueue_indirect_dma source(%arg6 : memref<2000xf32, #tpu.memory_space<vmem>>) target(%dma_start3A_30 : memref<100352xf32, #tpu.memory_space<vmem_shared>>) offsets(%arg4 : memref<2000xi32, #tpu.memory_space<vmem>>) semaphore(%arg9 : memref<!tpu.dma_semaphore, #tpu.memory_space<semaphore_mem>>) {add = true}
    %dma_wait3A = arith.constant 0 : i32
    %dma_wait3A_31 = tpu.memref_slice %arg8[%dma_wait3A] : memref<100352xf32, #tpu.memory_space<vmem_shared>> -> memref<100352xf32, #tpu.memory_space<vmem_shared>>
    tpu.wait_indirect_dma semaphore(%arg9 : memref<!tpu.dma_semaphore, #tpu.memory_space<semaphore_mem>>) src(%arg6 : memref<2000xf32, #tpu.memory_space<vmem>>) dst(%dma_wait3A_31 : memref<100352xf32, #tpu.memory_space<vmem_shared>>)
    %barrier3A_32 = arith.constant 0 : index
    tpu.barrier barrier_id(%barrier3A_32)
    "tpu.region"() ({
      %run_scoped3A_33 = tpu.sem_alloc : memref<!tpu.dma_semaphore, #tpu.memory_space<semaphore_mem>>
      %dma_start3A_34 = tpu.memref_slice %arg3[%arg0, %mul3A_0] : memref<2x100352xf32, #tpu.memory_space<hbm>> -> memref<1x6272xf32, #tpu.memory_space<hbm>>
      %dma_start3A_35 = tpu.memref_squeeze %dma_start3A_34 : memref<1x6272xf32, #tpu.memory_space<hbm>> -> memref<6272xf32, #tpu.memory_space<hbm>>
      %dma_start3A_36 = tpu.memref_slice %arg8[%mul3A_0] : memref<100352xf32, #tpu.memory_space<vmem_shared>> -> memref<6272xf32, #tpu.memory_space<vmem_shared>>
      tpu.enqueue_dma source(%dma_start3A_36 : memref<6272xf32, #tpu.memory_space<vmem_shared>>) target(%dma_start3A_35 : memref<6272xf32, #tpu.memory_space<hbm>>) target_semaphore(%run_scoped3A_33 : memref<!tpu.dma_semaphore, #tpu.memory_space<semaphore_mem>>)
      %dma_wait3A_37 = tpu.memref_slice %arg3[%arg0, %mul3A_0] : memref<2x100352xf32, #tpu.memory_space<hbm>> -> memref<1x6272xf32, #tpu.memory_space<hbm>>
      %dma_wait3A_38 = tpu.memref_squeeze %dma_wait3A_37 : memref<1x6272xf32, #tpu.memory_space<hbm>> -> memref<6272xf32, #tpu.memory_space<hbm>>
      %dma_wait3A_39 = tpu.memref_slice %arg8[%mul3A_0] : memref<100352xf32, #tpu.memory_space<vmem_shared>> -> memref<6272xf32, #tpu.memory_space<vmem_shared>>
      tpu.wait_dma2 semaphore(%run_scoped3A_33 : memref<!tpu.dma_semaphore, #tpu.memory_space<semaphore_mem>>) src(%dma_wait3A_39 : memref<6272xf32, #tpu.memory_space<vmem_shared>>) dst(%dma_wait3A_38 : memref<6272xf32, #tpu.memory_space<hbm>>)
      tpu.yield
    }) : () -> ()
    return
  }
}

module attributes {stable_mosaic.version = 14 : i64} {
  func.func @body(%arg0: i32, %arg1: memref<12544x12xf32, #tpu.memory_space<vmem>>, %arg2: memref<2x12544xf32, #tpu.memory_space<vmem>>, %arg3: memref<12x32xf32, #tpu.memory_space<vmem>>, %arg4: memref<32xf32, #tpu.memory_space<vmem>>, %arg5: memref<32x32xf32, #tpu.memory_space<vmem>>, %arg6: memref<2x12544x16xf32, #tpu.memory_space<vmem>>, %arg7: memref<1x1x12544xf32, #tpu.memory_space<vmem>>) attributes {dimension_semantics = [#tpu.dimension_semantics<arbitrary>], iteration_bounds = array<i64: 8>, scalar_prefetch = 0 : i64, scratch_operands = 0 : i64, tpu.core_type = #tpu.core_type<tc>, window_params = [{transform_indices = @transform_0, window_bounds = array<i64: 12544, 12>}, {transform_indices = @transform_1, window_bounds = array<i64: 2, 12544>}, {pipeline_mode = #tpu.pipeline_mode<synchronous>, transform_indices = @transform_2, window_bounds = array<i64: 12, 32>}, {pipeline_mode = #tpu.pipeline_mode<synchronous>, transform_indices = @transform_3, window_bounds = array<i64: 32>}, {pipeline_mode = #tpu.pipeline_mode<synchronous>, transform_indices = @transform_4, window_bounds = array<i64: 32, 32>}, {transform_indices = @transform_5, window_bounds = array<i64: 2, 12544, 16>}, {transform_indices = @transform_6, window_bounds = array<i64: 1, 1, 12544>}]} {
    %get3A = arith.constant 0 : index
    %get3A_0 = arith.constant 0 : index
    %get3A_1 = vector.load %arg2[%get3A, %get3A_0] : memref<2x12544xf32, #tpu.memory_space<vmem>>, vector<1x12544xf32>
    %get3A_2 = vector.shape_cast %get3A_1 : vector<1x12544xf32> to vector<12544xf32>
    %get3A_3 = arith.constant 1 : index
    %get3A_4 = arith.constant 0 : index
    %get3A_5 = vector.load %arg2[%get3A_3, %get3A_4] : memref<2x12544xf32, #tpu.memory_space<vmem>>, vector<1x12544xf32>
    %get3A_6 = vector.shape_cast %get3A_5 : vector<1x12544xf32> to vector<12544xf32>
    %add3A = arith.addf %get3A_2, %get3A_6 : vector<12544xf32>
    %add3A_7 = arith.constant 1.000000e+00 : f32
    %add3A_8 = vector.broadcast %add3A_7 : f32 to vector<12544xf32>
    %add3A_9 = arith.addf %add3A, %add3A_8 : vector<12544xf32>
    %rsqrt3A = math.rsqrt %add3A_9 : vector<12544xf32>
    %get3A_10 = arith.constant 0 : index
    %get3A_11 = arith.constant 0 : index
    %get3A_12 = vector.load %arg1[%get3A_10, %get3A_11] : memref<12544x12xf32, #tpu.memory_space<vmem>>, vector<12544x12xf32>
    %get3A_13 = arith.constant 0 : index
    %get3A_14 = arith.constant 0 : index
    %get3A_15 = vector.load %arg3[%get3A_13, %get3A_14] : memref<12x32xf32, #tpu.memory_space<vmem>>, vector<12x32xf32>
    %dot_general3A = arith.constant dense<0.000000e+00> : vector<12544x32xf32>
    %dot_general3A_16 = tpu.matmul %get3A_12, %get3A_15, %dot_general3A {dimension_numbers = #tpu.dot_dimension_numbers<[1], [0], [0], [1], [0, 0, 1, 1], [], []>, transpose_lhs_hint = false} : vector<12544x12xf32>, vector<12x32xf32>, vector<12544x32xf32> -> vector<12544x32xf32>
    %get3A_17 = arith.constant 0 : index
    %get3A_18 = vector.load %arg4[%get3A_17] : memref<32xf32, #tpu.memory_space<vmem>>, vector<32xf32>
    %broadcast_in_dim3A = vector.shape_cast %get3A_18 : vector<32xf32> to vector<1x32xf32>
    %add3A_19 = vector.broadcast %broadcast_in_dim3A : vector<1x32xf32> to vector<12544x32xf32>
    %add3A_20 = arith.addf %dot_general3A_16, %add3A_19 : vector<12544x32xf32>
    %max3A = arith.constant 0.000000e+00 : f32
    %max3A_21 = vector.broadcast %max3A : f32 to vector<12544x32xf32>
    %max3A_22 = arith.maximumf %add3A_20, %max3A_21 : vector<12544x32xf32>
    %get3A_23 = arith.constant 0 : index
    %get3A_24 = arith.constant 0 : index
    %get3A_25 = vector.load %arg5[%get3A_23, %get3A_24] : memref<32x32xf32, #tpu.memory_space<vmem>>, vector<32x32xf32>
    %dot_general3A_26 = arith.constant dense<0.000000e+00> : vector<12544x32xf32>
    %dot_general3A_27 = tpu.matmul %max3A_22, %get3A_25, %dot_general3A_26 {dimension_numbers = #tpu.dot_dimension_numbers<[1], [0], [0], [1], [0, 0, 1, 1], [], []>, transpose_lhs_hint = false} : vector<12544x32xf32>, vector<32x32xf32>, vector<12544x32xf32> -> vector<12544x32xf32>
    %broadcast_in_dim3A_28 = vector.shape_cast %rsqrt3A : vector<12544xf32> to vector<12544x1xf32>
    %mul3A = vector.broadcast %broadcast_in_dim3A_28 : vector<12544x1xf32> to vector<12544x32xf32>
    %mul3A_29 = arith.mulf %dot_general3A_27, %mul3A : vector<12544x32xf32>
    %slice3A = vector.extract_strided_slice %mul3A_29 {offsets = [0, 0], sizes = [12544, 16], strides = [1, 1]} : vector<12544x32xf32> to vector<12544x16xf32>
    %swap3A = arith.constant 0 : index
    %swap3A_30 = arith.constant 0 : index
    %swap3A_31 = arith.constant 0 : index
    %swap3A_32 = vector.load %arg6[%swap3A, %swap3A_30, %swap3A_31] : memref<2x12544x16xf32, #tpu.memory_space<vmem>>, vector<1x12544x16xf32>
    %swap3A_33 = vector.shape_cast %swap3A_32 : vector<1x12544x16xf32> to vector<12544x16xf32>
    %swap3A_34 = vector.shape_cast %slice3A : vector<12544x16xf32> to vector<1x12544x16xf32>
    tpu.vector_store %arg6[%swap3A, %swap3A_30, %swap3A_31], %swap3A_34 {strides = array<i32>} : memref<2x12544x16xf32, #tpu.memory_space<vmem>>, vector<1x12544x16xf32>,
    %slice3A_35 = vector.extract_strided_slice %mul3A_29 {offsets = [0, 16], sizes = [12544, 16], strides = [1, 1]} : vector<12544x32xf32> to vector<12544x16xf32>
    %swap3A_36 = arith.constant 1 : index
    %swap3A_37 = arith.constant 0 : index
    %swap3A_38 = arith.constant 0 : index
    %swap3A_39 = vector.load %arg6[%swap3A_36, %swap3A_37, %swap3A_38] : memref<2x12544x16xf32, #tpu.memory_space<vmem>>, vector<1x12544x16xf32>
    %swap3A_40 = vector.shape_cast %swap3A_39 : vector<1x12544x16xf32> to vector<12544x16xf32>
    %swap3A_41 = vector.shape_cast %slice3A_35 : vector<12544x16xf32> to vector<1x12544x16xf32>
    tpu.vector_store %arg6[%swap3A_36, %swap3A_37, %swap3A_38], %swap3A_41 {strides = array<i32>} : memref<2x12544x16xf32, #tpu.memory_space<vmem>>, vector<1x12544x16xf32>,
    %swap3A_42 = arith.constant 0 : index
    %swap3A_43 = arith.constant 0 : index
    %swap3A_44 = arith.constant 0 : index
    %swap3A_45 = vector.load %arg7[%swap3A_42, %swap3A_43, %swap3A_44] : memref<1x1x12544xf32, #tpu.memory_space<vmem>>, vector<1x1x12544xf32>
    %swap3A_46 = vector.shape_cast %swap3A_45 : vector<1x1x12544xf32> to vector<12544xf32>
    %swap3A_47 = vector.shape_cast %rsqrt3A : vector<12544xf32> to vector<1x1x12544xf32>
    tpu.vector_store %arg7[%swap3A_42, %swap3A_43, %swap3A_44], %swap3A_47 {strides = array<i32>} : memref<1x1x12544xf32, #tpu.memory_space<vmem>>, vector<1x1x12544xf32>,
    return
  }
  func.func @transform_0(%arg0: i32) -> (i32, i32) {
    %c0_i32 = arith.constant 0 : i32
    %c0_i32_0 = arith.constant 0 : i32
    return %arg0, %c0_i32 : i32, i32
  }
  func.func @transform_1(%arg0: i32) -> (i32, i32) {
    %c0_i32 = arith.constant 0 : i32
    %c0_i32_0 = arith.constant 0 : i32
    return %c0_i32, %arg0 : i32, i32
  }
  func.func @transform_2(%arg0: i32) -> (i32, i32) {
    %c0_i32 = arith.constant 0 : i32
    %c0_i32_0 = arith.constant 0 : i32
    %c0_i32_1 = arith.constant 0 : i32
    return %c0_i32, %c0_i32_0 : i32, i32
  }
  func.func @transform_3(%arg0: i32) -> i32 {
    %c0_i32 = arith.constant 0 : i32
    %c0_i32_0 = arith.constant 0 : i32
    return %c0_i32 : i32
  }
  func.func @transform_4(%arg0: i32) -> (i32, i32) {
    %c0_i32 = arith.constant 0 : i32
    %c0_i32_0 = arith.constant 0 : i32
    %c0_i32_1 = arith.constant 0 : i32
    return %c0_i32, %c0_i32_0 : i32, i32
  }
  func.func @transform_5(%arg0: i32) -> (i32, i32, i32) {
    %c0_i32 = arith.constant 0 : i32
    %c0_i32_0 = arith.constant 0 : i32
    %c0_i32_1 = arith.constant 0 : i32
    return %c0_i32, %arg0, %c0_i32_0 : i32, i32, i32
  }
  func.func @transform_6(%arg0: i32) -> (i32, i32, i32) {
    %c0_i32 = arith.constant 0 : i32
    %c0_i32_0 = arith.constant 0 : i32
    %c0_i32_1 = arith.constant 0 : i32
    return %arg0, %c0_i32, %c0_i32_0 : i32, i32, i32
  }
}

module attributes {stable_mosaic.version = 14 : i64} {
  func.func @body(%arg0: i32, %arg1: memref<2x12544x16xf32, #tpu.memory_space<vmem>>, %arg2: memref<2x12544x16xf32, #tpu.memory_space<vmem>>, %arg3: memref<1x1x12544xf32, #tpu.memory_space<vmem>>, %arg4: memref<32xf32, #tpu.memory_space<vmem>>, %arg5: memref<32x8xf32, #tpu.memory_space<vmem>>, %arg6: memref<12544x8xf32, #tpu.memory_space<vmem>>) attributes {dimension_semantics = [#tpu.dimension_semantics<arbitrary>], iteration_bounds = array<i64: 8>, scalar_prefetch = 0 : i64, scratch_operands = 0 : i64, tpu.core_type = #tpu.core_type<tc>, window_params = [{transform_indices = @transform_0, window_bounds = array<i64: 2, 12544, 16>}, {transform_indices = @transform_1, window_bounds = array<i64: 2, 12544, 16>}, {transform_indices = @transform_2, window_bounds = array<i64: 1, 1, 12544>}, {pipeline_mode = #tpu.pipeline_mode<synchronous>, transform_indices = @transform_3, window_bounds = array<i64: 32>}, {pipeline_mode = #tpu.pipeline_mode<synchronous>, transform_indices = @transform_4, window_bounds = array<i64: 32, 8>}, {transform_indices = @transform_5, window_bounds = array<i64: 12544, 8>}]} {
    %get3A = arith.constant 0 : index
    %get3A_0 = arith.constant 0 : index
    %get3A_1 = arith.constant 0 : index
    %get3A_2 = vector.load %arg3[%get3A, %get3A_0, %get3A_1] : memref<1x1x12544xf32, #tpu.memory_space<vmem>>, vector<1x1x12544xf32>
    %get3A_3 = vector.shape_cast %get3A_2 : vector<1x1x12544xf32> to vector<12544xf32>
    %broadcast_in_dim3A = vector.shape_cast %get3A_3 : vector<12544xf32> to vector<12544x1xf32>
    %get3A_4 = arith.constant 0 : index
    %get3A_5 = arith.constant 0 : index
    %get3A_6 = arith.constant 0 : index
    %get3A_7 = vector.load %arg1[%get3A_4, %get3A_5, %get3A_6] : memref<2x12544x16xf32, #tpu.memory_space<vmem>>, vector<1x12544x16xf32>
    %get3A_8 = vector.shape_cast %get3A_7 : vector<1x12544x16xf32> to vector<12544x16xf32>
    %get3A_9 = arith.constant 0 : index
    %get3A_10 = arith.constant 0 : index
    %get3A_11 = arith.constant 0 : index
    %get3A_12 = vector.load %arg2[%get3A_9, %get3A_10, %get3A_11] : memref<2x12544x16xf32, #tpu.memory_space<vmem>>, vector<1x12544x16xf32>
    %get3A_13 = vector.shape_cast %get3A_12 : vector<1x12544x16xf32> to vector<12544x16xf32>
    %add3A = arith.addf %get3A_8, %get3A_13 : vector<12544x16xf32>
    %mul3A = vector.broadcast %broadcast_in_dim3A : vector<12544x1xf32> to vector<12544x16xf32>
    %mul3A_14 = arith.mulf %mul3A, %add3A : vector<12544x16xf32>
    %get3A_15 = arith.constant 0 : index
    %get3A_16 = vector.load %arg4[%get3A_15] : memref<32xf32, #tpu.memory_space<vmem>>, vector<16xf32>
    %broadcast_in_dim3A_17 = vector.shape_cast %get3A_16 : vector<16xf32> to vector<1x16xf32>
    %add3A_18 = vector.broadcast %broadcast_in_dim3A_17 : vector<1x16xf32> to vector<12544x16xf32>
    %add3A_19 = arith.addf %mul3A_14, %add3A_18 : vector<12544x16xf32>
    %max3A = arith.constant 0.000000e+00 : f32
    %max3A_20 = vector.broadcast %max3A : f32 to vector<12544x16xf32>
    %max3A_21 = arith.maximumf %add3A_19, %max3A_20 : vector<12544x16xf32>
    %broadcast_in_dim3A_22 = vector.shape_cast %get3A_3 : vector<12544xf32> to vector<12544x1xf32>
    %get3A_23 = arith.constant 1 : index
    %get3A_24 = arith.constant 0 : index
    %get3A_25 = arith.constant 0 : index
    %get3A_26 = vector.load %arg1[%get3A_23, %get3A_24, %get3A_25] : memref<2x12544x16xf32, #tpu.memory_space<vmem>>, vector<1x12544x16xf32>
    %get3A_27 = vector.shape_cast %get3A_26 : vector<1x12544x16xf32> to vector<12544x16xf32>
    %get3A_28 = arith.constant 1 : index
    %get3A_29 = arith.constant 0 : index
    %get3A_30 = arith.constant 0 : index
    %get3A_31 = vector.load %arg2[%get3A_28, %get3A_29, %get3A_30] : memref<2x12544x16xf32, #tpu.memory_space<vmem>>, vector<1x12544x16xf32>
    %get3A_32 = vector.shape_cast %get3A_31 : vector<1x12544x16xf32> to vector<12544x16xf32>
    %add3A_33 = arith.addf %get3A_27, %get3A_32 : vector<12544x16xf32>
    %mul3A_34 = vector.broadcast %broadcast_in_dim3A_22 : vector<12544x1xf32> to vector<12544x16xf32>
    %mul3A_35 = arith.mulf %mul3A_34, %add3A_33 : vector<12544x16xf32>
    %get3A_36 = arith.constant 16 : index
    %get3A_37 = vector.load %arg4[%get3A_36] : memref<32xf32, #tpu.memory_space<vmem>>, vector<16xf32>
    %broadcast_in_dim3A_38 = vector.shape_cast %get3A_37 : vector<16xf32> to vector<1x16xf32>
    %add3A_39 = vector.broadcast %broadcast_in_dim3A_38 : vector<1x16xf32> to vector<12544x16xf32>
    %add3A_40 = arith.addf %mul3A_35, %add3A_39 : vector<12544x16xf32>
    %max3A_41 = arith.constant 0.000000e+00 : f32
    %max3A_42 = vector.broadcast %max3A_41 : f32 to vector<12544x16xf32>
    %max3A_43 = arith.maximumf %add3A_40, %max3A_42 : vector<12544x16xf32>
    %get3A_44 = arith.constant 0 : index
    %get3A_45 = arith.constant 0 : index
    %get3A_46 = vector.load %arg5[%get3A_44, %get3A_45] : memref<32x8xf32, #tpu.memory_space<vmem>>, vector<16x8xf32>
    %dot_general3A = arith.constant dense<0.000000e+00> : vector<12544x8xf32>
    %dot_general3A_47 = tpu.matmul %max3A_21, %get3A_46, %dot_general3A {dimension_numbers = #tpu.dot_dimension_numbers<[1], [0], [0], [1], [0, 0, 1, 1], [], []>, transpose_lhs_hint = false} : vector<12544x16xf32>, vector<16x8xf32>, vector<12544x8xf32> -> vector<12544x8xf32>
    %get3A_48 = arith.constant 16 : index
    %get3A_49 = arith.constant 0 : index
    %get3A_50 = vector.load %arg5[%get3A_48, %get3A_49] : memref<32x8xf32, #tpu.memory_space<vmem>>, vector<16x8xf32>
    %dot_general3A_51 = arith.constant dense<0.000000e+00> : vector<12544x8xf32>
    %dot_general3A_52 = tpu.matmul %max3A_43, %get3A_50, %dot_general3A_51 {dimension_numbers = #tpu.dot_dimension_numbers<[1], [0], [0], [1], [0, 0, 1, 1], [], []>, transpose_lhs_hint = false} : vector<12544x16xf32>, vector<16x8xf32>, vector<12544x8xf32> -> vector<12544x8xf32>
    %add3A_53 = arith.addf %dot_general3A_47, %dot_general3A_52 : vector<12544x8xf32>
    %broadcast_in_dim3A_54 = vector.shape_cast %get3A_3 : vector<12544xf32> to vector<12544x1xf32>
    %mul3A_55 = vector.broadcast %broadcast_in_dim3A_54 : vector<12544x1xf32> to vector<12544x8xf32>
    %mul3A_56 = arith.mulf %add3A_53, %mul3A_55 : vector<12544x8xf32>
    %swap3A = arith.constant 0 : index
    %swap3A_57 = arith.constant 0 : index
    %swap3A_58 = vector.load %arg6[%swap3A, %swap3A_57] : memref<12544x8xf32, #tpu.memory_space<vmem>>, vector<12544x8xf32>
    tpu.vector_store %arg6[%swap3A, %swap3A_57], %mul3A_56 {strides = array<i32>} : memref<12544x8xf32, #tpu.memory_space<vmem>>, vector<12544x8xf32>,
    return
  }
  func.func @transform_0(%arg0: i32) -> (i32, i32, i32) {
    %c0_i32 = arith.constant 0 : i32
    %c0_i32_0 = arith.constant 0 : i32
    %c0_i32_1 = arith.constant 0 : i32
    return %c0_i32, %arg0, %c0_i32_0 : i32, i32, i32
  }
  func.func @transform_1(%arg0: i32) -> (i32, i32, i32) {
    %c0_i32 = arith.constant 0 : i32
    %c0_i32_0 = arith.constant 0 : i32
    %c0_i32_1 = arith.constant 0 : i32
    return %c0_i32, %arg0, %c0_i32_0 : i32, i32, i32
  }
  func.func @transform_2(%arg0: i32) -> (i32, i32, i32) {
    %c0_i32 = arith.constant 0 : i32
    %c0_i32_0 = arith.constant 0 : i32
    %c0_i32_1 = arith.constant 0 : i32
    return %arg0, %c0_i32, %c0_i32_0 : i32, i32, i32
  }
  func.func @transform_3(%arg0: i32) -> i32 {
    %c0_i32 = arith.constant 0 : i32
    %c0_i32_0 = arith.constant 0 : i32
    return %c0_i32 : i32
  }
  func.func @transform_4(%arg0: i32) -> (i32, i32) {
    %c0_i32 = arith.constant 0 : i32
    %c0_i32_0 = arith.constant 0 : i32
    %c0_i32_1 = arith.constant 0 : i32
    return %c0_i32, %c0_i32_0 : i32, i32
  }
  func.func @transform_5(%arg0: i32) -> (i32, i32) {
    %c0_i32 = arith.constant 0 : i32
    %c0_i32_0 = arith.constant 0 : i32
    return %arg0, %c0_i32 : i32, i32
  }
}

module attributes {stable_mosaic.version = 14 : i64} {
  func.func @body(%arg0: i32, %arg1: memref<2x12544x8xf32, #tpu.memory_space<vmem>>, %arg2: memref<12544x8xf32, #tpu.memory_space<vmem>>, %arg3: memref<1x1x12544xf32, #tpu.memory_space<vmem>>, %arg4: memref<8xf32, #tpu.memory_space<vmem>>, %arg5: memref<1x1x12544xi32, #tpu.memory_space<vmem>>, %arg6: memref<64x8xf32, #tpu.memory_space<vmem>>) attributes {dimension_semantics = [#tpu.dimension_semantics<arbitrary>], iteration_bounds = array<i64: 8>, scalar_prefetch = 0 : i64, scratch_operands = 0 : i64, tpu.core_type = #tpu.core_type<tc>, window_params = [{transform_indices = @transform_0, window_bounds = array<i64: 2, 12544, 8>}, {transform_indices = @transform_1, window_bounds = array<i64: 12544, 8>}, {transform_indices = @transform_2, window_bounds = array<i64: 1, 1, 12544>}, {pipeline_mode = #tpu.pipeline_mode<synchronous>, transform_indices = @transform_3, window_bounds = array<i64: 8>}, {transform_indices = @transform_4, window_bounds = array<i64: 1, 1, 12544>}, {pipeline_mode = #tpu.pipeline_mode<synchronous>, transform_indices = @transform_5, window_bounds = array<i64: 64, 8>}]} {
    %get3A = arith.constant 0 : index
    %get3A_0 = arith.constant 0 : index
    %get3A_1 = arith.constant 0 : index
    %get3A_2 = vector.load %arg3[%get3A, %get3A_0, %get3A_1] : memref<1x1x12544xf32, #tpu.memory_space<vmem>>, vector<1x1x12544xf32>
    %get3A_3 = vector.shape_cast %get3A_2 : vector<1x1x12544xf32> to vector<12544xf32>
    %broadcast_in_dim3A = vector.shape_cast %get3A_3 : vector<12544xf32> to vector<12544x1xf32>
    %get3A_4 = arith.constant 0 : index
    %get3A_5 = arith.constant 0 : index
    %get3A_6 = arith.constant 0 : index
    %get3A_7 = vector.load %arg1[%get3A_4, %get3A_5, %get3A_6] : memref<2x12544x8xf32, #tpu.memory_space<vmem>>, vector<1x12544x8xf32>
    %get3A_8 = vector.shape_cast %get3A_7 : vector<1x12544x8xf32> to vector<12544x8xf32>
    %get3A_9 = arith.constant 1 : index
    %get3A_10 = arith.constant 0 : index
    %get3A_11 = arith.constant 0 : index
    %get3A_12 = vector.load %arg1[%get3A_9, %get3A_10, %get3A_11] : memref<2x12544x8xf32, #tpu.memory_space<vmem>>, vector<1x12544x8xf32>
    %get3A_13 = vector.shape_cast %get3A_12 : vector<1x12544x8xf32> to vector<12544x8xf32>
    %add3A = arith.addf %get3A_8, %get3A_13 : vector<12544x8xf32>
    %get3A_14 = arith.constant 0 : index
    %get3A_15 = arith.constant 0 : index
    %get3A_16 = vector.load %arg2[%get3A_14, %get3A_15] : memref<12544x8xf32, #tpu.memory_space<vmem>>, vector<12544x8xf32>
    %add3A_17 = arith.addf %add3A, %get3A_16 : vector<12544x8xf32>
    %mul3A = vector.broadcast %broadcast_in_dim3A : vector<12544x1xf32> to vector<12544x8xf32>
    %mul3A_18 = arith.mulf %mul3A, %add3A_17 : vector<12544x8xf32>
    %get3A_19 = arith.constant 0 : index
    %get3A_20 = vector.load %arg4[%get3A_19] : memref<8xf32, #tpu.memory_space<vmem>>, vector<8xf32>
    %broadcast_in_dim3A_21 = vector.shape_cast %get3A_20 : vector<8xf32> to vector<1x8xf32>
    %add3A_22 = vector.broadcast %broadcast_in_dim3A_21 : vector<1x8xf32> to vector<12544x8xf32>
    %add3A_23 = arith.addf %mul3A_18, %add3A_22 : vector<12544x8xf32>
    %get3A_24 = arith.constant 0 : index
    %get3A_25 = arith.constant 0 : index
    %get3A_26 = arith.constant 0 : index
    %get3A_27 = vector.load %arg5[%get3A_24, %get3A_25, %get3A_26] : memref<1x1x12544xi32, #tpu.memory_space<vmem>>, vector<1x1x12544xi32>
    %get3A_28 = vector.shape_cast %get3A_27 : vector<1x1x12544xi32> to vector<12544xi32>
    %broadcast_in_dim3A_29 = vector.shape_cast %get3A_28 : vector<12544xi32> to vector<12544x1xi32>
    %iota3A = tpu.iota {dimensions = array<i32: 1>} : vector<1x64xi32>
    %eq3A = vector.broadcast %broadcast_in_dim3A_29 : vector<12544x1xi32> to vector<12544x64xi32>
    %eq3A_30 = vector.broadcast %iota3A : vector<1x64xi32> to vector<12544x64xi32>
    %eq3A_31 = arith.cmpi eq, %eq3A, %eq3A_30 : vector<12544x64xi32>
    %convert_element_type3A = arith.extui %eq3A_31 : vector<12544x64xi1> to vector<12544x64xi32>
    %convert_element_type3A_32 = arith.sitofp %convert_element_type3A : vector<12544x64xi32> to vector<12544x64xf32>
    %dot_general3A = arith.constant dense<0.000000e+00> : vector<64x8xf32>
    %dot_general3A_33 = tpu.matmul %convert_element_type3A_32, %add3A_23, %dot_general3A {dimension_numbers = #tpu.dot_dimension_numbers<[0], [0], [1], [1], [0, 1, 1, 1], [], []>, transpose_lhs_hint = false} : vector<12544x64xf32>, vector<12544x8xf32>, vector<64x8xf32> -> vector<64x8xf32>
    %eq3A_34 = arith.constant 0 : i32
    %eq3A_35 = arith.cmpi eq, %arg0, %eq3A_34 : i32
    %convert_element_type3A_36 = arith.extui %eq3A_35 : i1 to i32
    %cond3A = arith.constant 0 : i32
    %cond3A_37 = arith.cmpi ne, %convert_element_type3A_36, %cond3A : i32
    scf.if %cond3A_37 {
      %broadcast_in_dim3A_49 = arith.constant 0.000000e+00 : f32
      %broadcast_in_dim3A_50 = vector.broadcast %broadcast_in_dim3A_49 : f32 to vector<64x8xf32>
      %swap3A_51 = arith.constant 0 : index
      %swap3A_52 = arith.constant 0 : index
      %swap3A_53 = vector.load %arg6[%swap3A_51, %swap3A_52] : memref<64x8xf32, #tpu.memory_space<vmem>>, vector<64x8xf32>
      tpu.vector_store %arg6[%swap3A_51, %swap3A_52], %broadcast_in_dim3A_50 {strides = array<i32>} : memref<64x8xf32, #tpu.memory_space<vmem>>, vector<64x8xf32>,
    } else {
    }
    %get3A_38 = arith.constant 0 : index
    %get3A_39 = arith.constant 0 : index
    %get3A_40 = vector.load %arg6[%get3A_38, %get3A_39] : memref<64x8xf32, #tpu.memory_space<vmem>>, vector<64x8xf32>
    %add3A_41 = arith.addf %get3A_40, %dot_general3A_33 : vector<64x8xf32>
    %swap3A = arith.constant 0 : index
    %swap3A_42 = arith.constant 0 : index
    %swap3A_43 = vector.load %arg6[%swap3A, %swap3A_42] : memref<64x8xf32, #tpu.memory_space<vmem>>, vector<64x8xf32>
    tpu.vector_store %arg6[%swap3A, %swap3A_42], %add3A_41 {strides = array<i32>} : memref<64x8xf32, #tpu.memory_space<vmem>>, vector<64x8xf32>,
    %eq3A_44 = arith.constant 7 : i32
    %eq3A_45 = arith.cmpi eq, %arg0, %eq3A_44 : i32
    %convert_element_type3A_46 = arith.extui %eq3A_45 : i1 to i32
    %cond3A_47 = arith.constant 0 : i32
    %cond3A_48 = arith.cmpi ne, %convert_element_type3A_46, %cond3A_47 : i32
    scf.if %cond3A_48 {
      %get3A_49 = arith.constant 0 : index
      %get3A_50 = arith.constant 0 : index
      %get3A_51 = vector.load %arg6[%get3A_49, %get3A_50] : memref<64x8xf32, #tpu.memory_space<vmem>>, vector<64x8xf32>
      %iota3A_52 = tpu.iota {dimensions = array<i32: 1>} : vector<64x8xi32>
      %lt3A = arith.constant 3 : i32
      %lt3A_53 = vector.broadcast %lt3A : i32 to vector<64x8xi32>
      %lt3A_54 = arith.cmpi slt, %iota3A_52, %lt3A_53 : vector<64x8xi32>
      %jit3A = arith.constant 0xFF800000 : f32
      %broadcast_in_dim3A_55 = vector.broadcast %jit3A : f32 to vector<64x8xf32>
      %select_n3A = arith.select %lt3A_54, %get3A_51, %broadcast_in_dim3A_55 : vector<64x8xi1>, vector<64x8xf32>
      %reduce_max3A = arith.constant dense<0xFF800000> : vector<64xf32>
      %reduce_max3A_56 = vector.multi_reduction <maximumf>, %select_n3A, %reduce_max3A [1] : vector<64x8xf32> to vector<64xf32>
      %broadcast_in_dim3A_57 = vector.shape_cast %reduce_max3A_56 : vector<64xf32> to vector<64x1xf32>
      %lt3A_58 = arith.constant 3 : i32
      %lt3A_59 = vector.broadcast %lt3A_58 : i32 to vector<64x8xi32>
      %lt3A_60 = arith.cmpi slt, %iota3A_52, %lt3A_59 : vector<64x8xi32>
      %sub3A = vector.broadcast %broadcast_in_dim3A_57 : vector<64x1xf32> to vector<64x8xf32>
      %sub3A_61 = arith.subf %get3A_51, %sub3A : vector<64x8xf32>
      %exp3A = math.exp %sub3A_61 : vector<64x8xf32>
      %jit3A_62 = arith.constant 0.000000e+00 : f32
      %broadcast_in_dim3A_63 = vector.broadcast %jit3A_62 : f32 to vector<64x8xf32>
      %select_n3A_64 = arith.select %lt3A_60, %exp3A, %broadcast_in_dim3A_63 : vector<64x8xi1>, vector<64x8xf32>
      %reduce_sum3A = arith.constant dense<0.000000e+00> : vector<64xf32>
      %reduce_sum3A_65 = vector.multi_reduction <add>, %select_n3A_64, %reduce_sum3A [1] : vector<64x8xf32> to vector<64xf32>
      %broadcast_in_dim3A_66 = vector.shape_cast %reduce_sum3A_65 : vector<64xf32> to vector<64x1xf32>
      %log3A = math.log %broadcast_in_dim3A_66 : vector<64x1xf32>
      %add3A_67 = arith.addf %broadcast_in_dim3A_57, %log3A : vector<64x1xf32>
      %sub3A_68 = vector.broadcast %add3A_67 : vector<64x1xf32> to vector<64x8xf32>
      %sub3A_69 = arith.subf %get3A_51, %sub3A_68 : vector<64x8xf32>
      %swap3A_70 = arith.constant 0 : index
      %swap3A_71 = arith.constant 0 : index
      %swap3A_72 = vector.load %arg6[%swap3A_70, %swap3A_71] : memref<64x8xf32, #tpu.memory_space<vmem>>, vector<64x8xf32>
      tpu.vector_store %arg6[%swap3A_70, %swap3A_71], %sub3A_69 {strides = array<i32>} : memref<64x8xf32, #tpu.memory_space<vmem>>, vector<64x8xf32>,
    } else {
    }
    return
  }
  func.func @transform_0(%arg0: i32) -> (i32, i32, i32) {
    %c0_i32 = arith.constant 0 : i32
    %c0_i32_0 = arith.constant 0 : i32
    %c0_i32_1 = arith.constant 0 : i32
    return %c0_i32, %arg0, %c0_i32_0 : i32, i32, i32
  }
  func.func @transform_1(%arg0: i32) -> (i32, i32) {
    %c0_i32 = arith.constant 0 : i32
    %c0_i32_0 = arith.constant 0 : i32
    return %arg0, %c0_i32 : i32, i32
  }
  func.func @transform_2(%arg0: i32) -> (i32, i32, i32) {
    %c0_i32 = arith.constant 0 : i32
    %c0_i32_0 = arith.constant 0 : i32
    %c0_i32_1 = arith.constant 0 : i32
    return %arg0, %c0_i32, %c0_i32_0 : i32, i32, i32
  }
  func.func @transform_3(%arg0: i32) -> i32 {
    %c0_i32 = arith.constant 0 : i32
    %c0_i32_0 = arith.constant 0 : i32
    return %c0_i32 : i32
  }
  func.func @transform_4(%arg0: i32) -> (i32, i32, i32) {
    %c0_i32 = arith.constant 0 : i32
    %c0_i32_0 = arith.constant 0 : i32
    %c0_i32_1 = arith.constant 0 : i32
    return %arg0, %c0_i32, %c0_i32_0 : i32, i32, i32
  }
  func.func @transform_5(%arg0: i32) -> (i32, i32) {
    %c0_i32 = arith.constant 0 : i32
    %c0_i32_0 = arith.constant 0 : i32
    %c0_i32_1 = arith.constant 0 : i32
    return %c0_i32, %c0_i32_0 : i32, i32
  }
}

</mosaic_0001>

<sc_bundles>
// kernel: kernel.11.cloned.1.call-start
scs
__scs_entry_jumppad:
0x0: {  	(pc) =	sbr.rel $0x88, $3  }
0x1: {  	(tag) =	ssettag $0x0;
	lr =	simm.s32 $0x1  }
0x2: {  	[smem:$0x3F98] =	sst lr;
	_ =	strace $0xD0000000  }
0x3: {  	_ = 	snop  }
0x4: {  	_ = 	snop  }
0x5: {  	_ = 	snop  }
0x6: {  	_ = 	snop  }
0x7: {  	_ = 	snop  }
__scs_overlays_trampoline_lowered:
0x8: {  	[smem:$0x3FA7] =	sst s0  }
0x9: {  	[smem:$0x3FA8] =	sst s1  }
0xa: {  	[smem:$0x3FA9] =	sst s2  }
0xb: {  	[smem:$0x3FAA] =	sst s3  }
0xc: {  	[smem:$0x3FAB] =	sst s4  }
0xd: {  	[smem:$0x3FAC] =	sst s5  }
0xe: {  	[smem:$0x3FAD] =	sst s6  }
0xf: {  	[smem:$0x3FAE] =	sst s7  }
0x10: {  	[smem:$0x3FAF] =	sst s8  }
0x11: {  	[smem:$0x3FB0] =	sst s9;
	s0 =	simm.s32 @!p0 $0x0  }
0x12: {  	s1 =	sld [smem:$0x3F96];
	s0 =	simm.s32 @p0 $0x1  }
0x13: {  	[smem:$0x3FB1] =	sst s0;
	s0 =	simm.s32 @!p1 $0x0  }
0x14: {  	s2 =	sld [smem:$0x3F95];
	s0 =	simm.s32 @p1 $0x1  }
0x15: {  	[smem:$0x3FB2] =	sst s0;
	s0 =	simm.s32 @!p2 $0x0  }
0x16: {  	s3 =	sld [smem:$0x3FDB];
	s0 =	simm.s32 @p2 $0x1  }
0x17: {  	s4 =	simm.s32 $0x1BF5;
	[smem:$0x3FB4] =	sst s0  }
0x18: {  	s0 =	sld [smem:$0x3F97];
	_ =	swait.ge [sflag:s4], $0x0  }
0x19: {  	s7 =	sld [smem:$0x3F98]  }
0x1a: {  	s8 =	sadd.s32 $0xFFFFE003, lr  }
0x1b: {  	s9 =	sadd.s32 $0xFFFFFEF7, lr;
	s5 =	simm.s32 $0xFFFFFFFF;
	p2 =	slt.u32 s8, $0xFFFFF086  }
0x1c: {  	p1 =	slt.u32 s9, $0xF7A;
	s5 =	simm.s32 @!p2 $0x0  }
0x1d: {  	s5 =	simm.s32 @p1 $0x1;
	p0 =	seq.s32 s7, s2  }
0x1e: {  	s7 =	smul.u32 @!p0 $0xF7A, s2;
	p2 =	seq.s32 @!p0 s5, $0x0  }
0x1f: {  	s9 =	smul.u32 $0xF7A, s1;
	s8 =	simm.s32 @!p0 $0x1BF5;
	p2 =	por !p2, p0  }
0x20: {  	[sflag:s8] =	ssyncset.s32 @!p0 $0xFFFFF086;
	s6 =	sadd.s32 @!p0 s3, s7;
	s7 =	simm.s32 @!p0 $0x108  }
0x21: {  	s3 =	sadd.s32 s3, s9;
	s6 =	sadd.s32 @!p0 $0x88, s6;
	s7 =	simm.s32 @p2 $0x1082  }
0x22: {  	[simem:s7], [sflag:s8] =	dma.local @!p0 [hbm:s6], $0xF7A  }
0x23: {  	s9 =	sor.u32 $0xD0000000, s2;
	s6 =	simm.s32 $0x108;
	_ =	swait.ge @!p0 [sflag:s8], $0x0  }
0x24: {  	s3 =	sadd.s32 $0x88, s3;
	s6 =	simm.s32 @!p1 $0x1082;
	[sflag:s4] =	ssyncset.s32 $0xFFFFF086  }
0x25: {  	[simem:s6], [sflag:s4] =	dma.local [hbm:s3], $0xF7A  }
0x26: {  	[smem:$0x3F98] =	sst s1;
	(tag) =	ssettag s2;
	_ =	strace s9  }
0x27: {  	s1 =	sld [smem:$0x3FA8]  }
0x28: {  	s2 =	sld [smem:$0x3FA9]  }
0x29: {  	s4 =	sld [smem:$0x3FAB]  }
0x2a: {  	p0 =	seq.s32 s5, $0x0;
	s5 =	sld [smem:$0x3FAC]  }
0x2b: {  	s6 =	sld [smem:$0x3FAD]  }
0x2c: {  	s7 =	sld [smem:$0x3FAE]  }
0x2d: {  	s3 =	simm.s32 $0x108;
	s8 =	sld [smem:$0x3FAF]  }
0x2e: {  	s3 =	simm.s32 @!p0 $0x1082;
	s9 =	sld [smem:$0x3FB0]  }
0x2f: {  	lr =	sadd.s32 s0, s3;
	s0 =	sld [smem:$0x3FA7]  }
0x30: {  	s3 =	sld [smem:$0x3FAA]  }
0x31: {  	[smem:$0x3FB3] =	sst s10  }
0x32: {  	s10 =	sld [smem:$0x3FB1];
	_ =	sdelay $0x3  }
0x33: {  	p0 =	seq.s32 s10, $0x1;
	s10 =	sld [smem:$0x3FB3];
	_ =	sdelay $0x3  }
0x34: {  	[smem:$0x3FB3] =	sst s10  }
0x35: {  	s10 =	sld [smem:$0x3FB2];
	_ =	sdelay $0x3  }
0x36: {  	p1 =	seq.s32 s10, $0x1;
	s10 =	sld [smem:$0x3FB3];
	_ =	sdelay $0x3  }
0x37: {  	[smem:$0x3FB3] =	sst s10  }
0x38: {  	s10 =	sld [smem:$0x3FB4]  }
0x39: {  	_ = 	snop;
	(pc) =	sbr.ind lr, $3  }
0x3a: {  	_ = 	snop  }
0x3b: {  	_ = 	snop  }
0x3c: {  	p2 =	seq.s32 s10, $0x1;
	s10 =	sld [smem:$0x3FB3]  }
0x3d: {  	_ =	shalt  }
0x3e: {  	_ =	shalt  }
0x3f: {  	_ =	shalt  }
0x40: {  	_ =	shalt  }
0x41: {  	_ =	shalt  }
0x42: {  	_ =	shalt  }
0x43: {  	_ =	shalt  }
0x44: {  	_ =	shalt  }
0x45: {  	_ =	shalt  }
0x46: {  	_ =	shalt  }
0x47: {  	_ =	shalt  }
0x48: {  	_ =	shalt  }
0x49: {  	_ =	shalt  }
0x4a: {  	_ =	shalt  }
0x4b: {  	_ =	shalt  }
0x4c: {  	_ =	shalt  }
0x4d: {  	_ =	shalt  }
0x4e: {  	_ =	shalt  }
0x4f: {  	_ =	shalt  }
0x50: {  	_ =	shalt  }
0x51: {  	_ =	shalt  }
0x52: {  	_ =	shalt  }
0x53: {  	_ =	shalt  }
0x54: {  	_ =	shalt  }
0x55: {  	_ =	shalt  }
0x56: {  	_ =	shalt  }
0x57: {  	_ =	shalt  }
0x58: {  	_ =	shalt  }
0x59: {  	_ =	shalt  }
0x5a: {  	_ =	shalt  }
0x5b: {  	_ =	shalt  }
0x5c: {  	_ =	shalt  }
0x5d: {  	_ =	shalt  }
0x5e: {  	_ =	shalt  }
0x5f: {  	_ =	shalt  }
0x60: {  	_ =	shalt  }
0x61: {  	_ =	shalt  }
0x62: {  	_ =	shalt  }
0x63: {  	_ =	shalt  }
0x64: {  	_ =	shalt  }
0x65: {  	_ =	shalt  }
0x66: {  	_ =	shalt  }
0x67: {  	_ =	shalt  }
0x68: {  	_ =	shalt  }
0x69: {  	_ =	shalt  }
0x6a: {  	_ =	shalt  }
0x6b: {  	_ =	shalt  }
0x6c: {  	_ =	shalt  }
0x6d: {  	_ =	shalt  }
0x6e: {  	_ =	shalt  }
0x6f: {  	_ =	shalt  }
0x70: {  	_ =	shalt  }
0x71: {  	_ =	shalt  }
0x72: {  	_ =	shalt  }
0x73: {  	_ =	shalt  }
0x74: {  	_ =	shalt  }
0x75: {  	_ =	shalt  }
0x76: {  	_ =	shalt  }
0x77: {  	_ =	shalt  }
0x78: {  	_ =	shalt  }
0x79: {  	_ =	shalt  }
0x7a: {  	_ =	shalt  }
0x7b: {  	_ =	shalt  }
0x7c: {  	_ =	shalt  }
0x7d: {  	_ =	shalt  }
0x7e: {  	_ =	shalt  }
0x7f: {  	_ =	shalt  }
0x80: {  	_ =	shalt  }
0x81: {  	_ =	shalt  }
0x82: {  	_ =	shalt  }
0x83: {  	_ =	shalt  }
0x84: {  	_ =	shalt  }
0x85: {  	_ =	shalt  }
0x86: {  	_ =	shalt  }
0x87: {  	_ =	shalt  }
.Lfunc_end0:
.L_simem_size_0:
called_computation.1_lowered:
.L_overlay_start_0:
0x88: {  	s2 =	sld [smem:$0x3FD9]  }
0x89: {  	s3 =	sld [smem:$0x3FFE];
	_ =	sdelay $0x1  }
0x8a: {  	s1 =	srdreg.scid  }
0x8b: {  	s0 =	sand.u32 $0x1, s1  }
0x8c: {  	s16 =	sshll.u32 s0, $0xA;
	s2 =	sadd.s32 s3, s2  }
0x8d: {  	s2 =	sadd.s32 s2, s16  }
0x8e: {  	[smem:$0x3FBF] =	sst s2  }
0x8f: {  	_ = 	snop  }
0x90: {  	(tm) =	ssettm $0x1  }
0x91: {  	s17 =	sld [smem:$0x3FFB];
	_ =	sdelay $0x3  }
0x92: {  	_ =	strace s17  }
0x93: {  	s2 =	sld [smem:$0x3FFC];
	_ =	sdelay $0x3  }
0x94: {  	_ =	strace s2  }
0x95: {  	s2 =	sld [smem:$0x3FFD];
	_ =	sdelay $0x3  }
0x96: {  	_ =	strace s2  }
0x97: {  	_ =	strace $0x8FFFFFFF  }
0x98: {  	s18 =	sld [smem:$0x3FDB];
	_ =	sdelay $0x1  }
0x99: {  	s19 =	simm.s32 $_scs_section_size  }
0x9a: {  	s4 =	simm.s32 $_size__tile_overlayer_lowered;
	s5 =	simm.s32 $_tile_overlayer_lowered  }
0x9b: {  	s22 =	simm.s32 $0x1BFF;
	s21 =	sshll.u32 s5, $0x1;
	s2 =	sadd.s32 s19, s18  }
0x9c: {  	s6 =	simm.s32 $0x0;
	s20 =	sshll.u32 s4, $0x1;
	s4 =	sadd.s32 s21, s2  }
0x9d: {  	[timem:s6], [sflag:s22] =	dma.local [hbm:s4], s20  }
0x9e: {  	_ =	swait.ge [sflag:s22], s20  }
0x9f: {  	s3 =	ssub.s32 $0x0, s20;
	[sflag:s22] =	ssyncset.done $0x0  }
0xa0: {  	[sflag:s22] =	ssyncadd.s32 s3;
	_ =	sdelay $0x1  }
0xa1: {  	s23 =	simm.s32 $0x1B8B  }
0xa2: {  	_ =	swait.ge [sflag:s23], $0x1  }
0xa3: {  	[sflag:s23] =	ssyncset.done $0x0  }
0xa4: {  	s25 =	simm.s32 $0x1B8E;
	s24 =	sld [smem:$0x3FFE];
	[sflag:s23] =	ssyncadd.s32 $0xFFFFFFFF  }
0xa5: {  	s26 =	simm.s32 $execute0_lowered;
	[smem:$0x3FD2] =	sst s25  }
0xa6: {  	s4 =	sshll.u32 s26, $0x1;
	_ =	strace $0x80000049;
	[dreg:$0x1] =	wrdreg $0xFFFFFFFF  }
0xa7: {  	s28 =	simm.s32 $_size_execute0_lowered;
	s2 =	sadd.s32 s2, s4;
	[dreg:$0x0] =	wrdreg $0x0  }
0xa8: {  	s4 =	sshll.u32 s28, $0x1;
	[dreg:$0x2] =	wrdreg s2  }
0xa9: {  	[dreg:$0x3] =	wrdreg s4  }
0xaa: {  	[dreg:$0x4] =	wrdreg $0xC0  }
0xab: {  	_ =	task [dreg:s6], $0x5FFFF  }
0xac: {  	[dreg:$0x1] =	wrdreg $0xFFFFFFFF  }
0xad: {  	[dreg:$0x0] =	wrdreg $0x60  }
0xae: {  	[dreg:$0x2] =	wrdreg s24  }
0xaf: {  	[dreg:$0x3] =	wrdreg $0x70800  }
0xb0: {  	[dreg:$0x4] =	wrdreg $0x9  }
0xb1: {  	_ =	task.clear_ibuf [dreg:s6], $0x5FFFF;
	_ =	strace $0x90000049  }
0xb2: {  	s29 =	simm.s32 $0x9;
	_ =	strace $0x8000004B  }
0xb3: {  	_ =	swait.ge [sflag:s29], $0x1  }
0xb4: {  	[sflag:s29] =	ssyncadd.s32 $0xFFFFFFFF  }
0xb5: {  	_ =	strace $0x9000004B  }
0xb6: {  	_ =	sfence  }
0xb7: {  	s30 =	sld [smem:$0x0];
	_ =	sdelay $0x2  }
0xb8: {  	s31 =	sshll.u32 s1, $0xD;
	s1 =	sshrl.u32 s1, $0x2  }
0xb9: {  	s3 =	sand.u32 $0x4000, s31;
	s1 =	sadd.s32 s1, s30  }
0xba: {  	s0 =	sor.u32 s3, s0;
	s1 =	sshll.u32 s1, $0x11  }
0xbb: {  	s0 =	sor.u32 s1, s0  }
0xbc: {  	s0 =	sadd.s32 $0x8F2B, s0  }
0xbd: {  	[sflag:s0] =	ssyncadd.remote.s32 $0x1  }
0xbe: {  	_ =	sfence.sel $0xFFFF  }
0xbf: {  	[dreg:$0x0] =	wrdreg $0xFFFFFFFF;
	(pc) =	sbr.abs _section_cstart, $3  }
0xc0: {  	[dreg:$0x1] =	wrdreg $0xFFFFFFFF  }
0xc1: {  	_ =	task.clear_ibuf [dreg:s6], $0x2FFFF;
	_ =	strace $0x9FFFFFFF  }
0xc2: {  	(tm) =	ssettm $0x7FFFFFFF  }
0xc3: {  	_ =	shalt  }
tec
execute0_lowered:
.L_overlay_start_1:
0x0: {  	(tag) =	ssettag $0x1  }
0x1: {  	s0 =	rddreg [dreg:$0x0]  }
0x2: {  	s1 =	rddreg [dreg:$0x1];
	s2 =	srdreg.scid  }
0x3: {  	s3 =	simm.s32 $0x0;
	s12 =	stileid.u32;
	s20 =	simm.s32 $0xC80  }
0x4: {  	s21 =	simm.s32 $0x5;
	s22 =	simm.s32 $0x640;
	s28 =	simm.s32 $0x1  }
0x5: {  	s29 =	simm.s32 $0x3;
	s30 =	simm.s32 $0x2;
	s7 =	smul.u32 $0x18800, s12  }
0x6: {  	s31 =	simm.s32 $0x4;
	s2 =	sand.u32 $0x1, s2;
	s9 =	smul.u32 $0x186A0, s12  }
0x7: {  	[smem:$0x7FF] =	sst s3;
	s4 =	sadd.s32 $0x66A00, s0;
	s23 =	smul.u32 $0x62000, s12  }
0x8: {  	s5 =	sadd.s32 $0x1C00, s0;
	s6 =	smul.u32 $0x188000, s2;
	_ =	strace $0x8000004A  }
0x9: {  	s8 =	ssub.s32 $0x2, s2;
	s2 =	smul.u32 $0x18800, s2;
	s10 =	sshrl.u32 s9, $0x3  }
0xa: {  	s11 =	sshrl.u32 s8, $0x1;
	s26 =	sadd.s32 s7, s1;
	s6 =	sadd.s32 s7, s6  }
0xb: {  	s13 =	sadd.s32 s5, s10;
	s24 =	ssub.s32 s8, s11;
	s8 =	sadd.s32 $0x320, s9  }
0xc: {  	s10 =	sshrl.u32 s23, $0x2;
	s9 =	sadd.s32 $0x640, s9;
	s23 =	simm.s32 $0x320  }
0xd: {  	s6 =	sshrl.u32 s6, $0x3;
	[dreg:$0x3] =	wrdreg s13;
	s25 =	sadd.s32 $0x30D40, s13  }
0xe: {  	s11 =	sadd.s32 s10, s1;
	s0 =	sadd.s32 s6, s0;
	[dreg:$0x4] =	wrdreg s25  }
0xf: {  	s6 =	smax.u32 s24, $0x1;
	s13 =	sadd.s32 $0x3100, s11;
	s14 =	sadd.s32 $0x6200, s11  }
0x10: {  	s15 =	sadd.s32 $0x9300, s11;
	s16 =	sadd.s32 $0xC400, s11;
	s17 =	sadd.s32 $0xF500, s11  }
0x11: {  	s18 =	sadd.s32 $0x12600, s11;
	s19 =	sadd.s32 $0x15700, s11;
	s24 =	sshrl.u32 s26, $0x3  }
0x12: {  	s25 =	simm.s32 $0x960;
	s0 =	sadd.s32 $0xE1200, s0;
	[dreg:$0x6] =	wrdreg s6  }
0x13: {  	v1 =	vimm.f32 $0.0e+00;
	v0 =	vmov s2;
	s26 =	simm.s32 $0x3E80;
	[dreg:$0x5] =	wrdreg s0;
	s0 =	simm.s32 $0x0  }
.LBB2_1:
0x14: {  	s2 =	simm.s32 $0x40;
	s6 =	simm.s32 $0x0  }
.LBB2_2:
0x15: {  	p0 =	sne.s32 s2, $0xC3C0;
	[tilespmem:s6+$0xC80] =	vst v1;
	s6 =	smov.u32 s2;
	s2 =	sadd.s32 $0x40, s2  }
.Ltmp0:
0x16: {  	(pc) =	sbr.rel @p0 .LBB2_2-.Ltmp0, $2  }
0x17: {  	_ =	sdelay $0x2  }
0x18: {  	s6 =	sshra.s32 s6, $0x2  }
0x19: {  	[tilespmem:s6+$0xC80] =	vst v1  }
0x1a: {  	[spmem:s11] =	stream.linear.scatter [tilespmem:s20], [sflag:$0x5], $0x3100, $0x38;
	[tilespmem:$0x1F880] =	vst v63  }
0x1b: {  	_ =	swait.ge [sflag:s21], $0x3100  }
0x1c: {  	[sflag:s21] =	ssyncset.done $0x0  }
0x1d: {  	[sflag:s21] =	ssyncadd.s32 $0xFFFFCF00  }
0x1e: {  	[spmem:s13] =	stream.linear.scatter [tilespmem:s20], [sflag:$0x5], $0x3100, $0x38;
	[tilespmem:$0x1F880] =	vst v63  }
0x1f: {  	_ =	swait.ge [sflag:s21], $0x3100  }
0x20: {  	[sflag:s21] =	ssyncset.done $0x0  }
0x21: {  	[sflag:s21] =	ssyncadd.s32 $0xFFFFCF00  }
0x22: {  	[spmem:s14] =	stream.linear.scatter [tilespmem:s20], [sflag:$0x5], $0x3100, $0x38;
	[tilespmem:$0x1F880] =	vst v63  }
0x23: {  	_ =	swait.ge [sflag:s21], $0x3100  }
0x24: {  	[sflag:s21] =	ssyncset.done $0x0  }
0x25: {  	[sflag:s21] =	ssyncadd.s32 $0xFFFFCF00  }
0x26: {  	[spmem:s15] =	stream.linear.scatter [tilespmem:s20], [sflag:$0x5], $0x3100, $0x38;
	[tilespmem:$0x1F880] =	vst v63  }
0x27: {  	_ =	swait.ge [sflag:s21], $0x3100  }
0x28: {  	[sflag:s21] =	ssyncset.done $0x0  }
0x29: {  	[sflag:s21] =	ssyncadd.s32 $0xFFFFCF00  }
0x2a: {  	[spmem:s16] =	stream.linear.scatter [tilespmem:s20], [sflag:$0x5], $0x3100, $0x38;
	[tilespmem:$0x1F880] =	vst v63  }
0x2b: {  	_ =	swait.ge [sflag:s21], $0x3100  }
0x2c: {  	[sflag:s21] =	ssyncset.done $0x0  }
0x2d: {  	[sflag:s21] =	ssyncadd.s32 $0xFFFFCF00  }
0x2e: {  	[spmem:s17] =	stream.linear.scatter [tilespmem:s20], [sflag:$0x5], $0x3100, $0x38;
	[tilespmem:$0x1F880] =	vst v63  }
0x2f: {  	_ =	swait.ge [sflag:s21], $0x3100  }
0x30: {  	[sflag:s21] =	ssyncset.done $0x0  }
0x31: {  	[sflag:s21] =	ssyncadd.s32 $0xFFFFCF00  }
0x32: {  	[spmem:s18] =	stream.linear.scatter [tilespmem:s20], [sflag:$0x5], $0x3100, $0x38;
	[tilespmem:$0x1F880] =	vst v63  }
0x33: {  	_ =	swait.ge [sflag:s21], $0x3100  }
0x34: {  	[sflag:s21] =	ssyncset.done $0x0  }
0x35: {  	[sflag:s21] =	ssyncadd.s32 $0xFFFFCF00  }
0x36: {  	[spmem:s19] =	stream.linear.scatter [tilespmem:s20], [sflag:$0x5], $0x3100, $0x38;
	[tilespmem:$0x1F880] =	vst v63  }
0x37: {  	_ =	swait.ge [sflag:s21], $0x3100  }
0x38: {  	[sflag:s21] =	ssyncset.done $0x0  }
0x39: {  	[sflag:s21] =	ssyncadd.s32 $0xFFFFCF00  }
0x3a: {  	[bflag:$0x0] =	sbarrier.arrive $0xFFFF  }
0x3b: {  	s2 =	simm.s32 $0x0;
	s10 =	rddreg [dreg:$0x3]  }
0x3c: {  	[tilespmem:s2], [sflag:$0x5] =	stream.linear.gather [hbm4b:s10+s2], $0x320, $0x38;
	[tilespmem:$0x1F880] =	vst v63  }
0x3d: {  	_ =	swait.ge [sflag:s21], $0x320  }
0x3e: {  	[sflag:s21] =	ssyncset.done $0x0  }
0x3f: {  	s12 =	rddreg [dreg:$0x4];
	[sflag:s21] =	ssyncadd.s32 $0xFFFFFCE0  }
0x40: {  	[tilespmem:s22], [sflag:$0x5] =	stream.linear.gather [hbm4b:s12+s2], $0x320, $0x38;
	[tilespmem:$0x1F880] =	vst v63  }
0x41: {  	_ =	swait.ge [sflag:s21], $0x320  }
0x42: {  	[sflag:s21] =	ssyncset.done $0x0  }
0x43: {  	s6 =	simm.s32 $0x40;
	s2 =	simm.s32 $0x0;
	[sflag:s21] =	ssyncadd.s32 $0xFFFFFCE0  }
.LBB2_4:
0x44: {  	p0 =	sne.s32 s6, $0xC40;
	v2 =	vld [tilespmem:s2+$0x0];
	_ =	sdelay $0x1  }
.Ltmp1:
0x45: {  	(pc) =	sbr.rel @p0 .LBB2_4-.Ltmp1, $3  }
0x46: {  	_ =	sdelay $0x1  }
0x47: {  	v2 =	vadd.s32 v0, v2  }
0x48: {  	[tilespmem:s2+$0x0] =	vst v2;
	s2 =	sshra.s32 s6, $0x2;
	s6 =	sadd.s32 $0x40, s6  }
0x49: {  	v2 =	vld [tilespmem:s2+$0x0];
	_ =	sdelay $0x4  }
0x4a: {  	v2 =	vadd.s32 v0, v2  }
0x4b: {  	s7 =	simm.s32 $0x0;
	[tilespmem:s2+$0x0] =	vst v2;
	s2 =	simm.s32 $0x0  }
0x4c: {  	[tilespmem:s20], [sflag:$0x1] =	stream.indirect.gather [hbm4b:s4+s23], $0x10, s2, s23, $0xb8;
	[tilespmem:$0x1F880] =	vst v63  }
.LBB2_6:
0x4d: {  	s6 =	smul.u32 $0x640, s7;
	_ =	sdelay $0x1  }
0x4e: {  	s10 =	sadd.s32 s6, s8  }
0x4f: {  	s10 =	sshrl.u32 s10, $0x3  }
0x50: {  	s10 =	sadd.s32 s5, s10  }
0x51: {  	[tilespmem:s23], [sflag:$0x5] =	stream.linear.gather [hbm4b:s10+s2], $0x320, $0x38;
	[tilespmem:$0x1F880] =	vst v63  }
0x52: {  	_ =	swait.ge [sflag:s21], $0x320  }
0x53: {  	[sflag:s21] =	ssyncset.done $0x0  }
0x54: {  	s10 =	sadd.s32 $0x30D40, s10;
	[sflag:s21] =	ssyncadd.s32 $0xFFFFFCE0  }
0x55: {  	[tilespmem:s25], [sflag:$0x5] =	stream.linear.gather [hbm4b:s10+s2], $0x320, $0x38;
	[tilespmem:$0x1F880] =	vst v63  }
0x56: {  	_ =	swait.ge [sflag:s21], $0x320  }
0x57: {  	[sflag:s21] =	ssyncset.done $0x0  }
0x58: {  	s12 =	simm.s32 $0x40;
	s10 =	simm.s32 $0x0;
	[sflag:s21] =	ssyncadd.s32 $0xFFFFFCE0  }
.LBB2_7:
0x59: {  	p0 =	sne.s32 s12, $0xC40;
	v2 =	vld [tilespmem:s10+$0x320];
	_ =	sdelay $0x1  }
.Ltmp2:
0x5a: {  	(pc) =	sbr.rel @p0 .LBB2_7-.Ltmp2, $3  }
0x5b: {  	_ =	sdelay $0x1  }
0x5c: {  	v2 =	vadd.s32 v0, v2  }
0x5d: {  	[tilespmem:s10+$0x320] =	vst v2;
	s10 =	sshra.s32 s12, $0x2;
	s12 =	sadd.s32 $0x40, s12  }
0x5e: {  	v2 =	vld [tilespmem:s10+$0x320];
	_ =	sdelay $0x4  }
0x5f: {  	v2 =	vadd.s32 v0, v2  }
0x60: {  	[tilespmem:s10+$0x320] =	vst v2  }
0x61: {  	[tilespmem:s26], [sflag:$0x2] =	stream.indirect.gather [hbm4b:s4+s23], $0x10, s23, s23, $0xb8;
	[tilespmem:$0x1F880] =	vst v63  }
0x62: {  	_ =	swait.ge [sflag:s28], $0x3200  }
0x63: {  	[sflag:s28] =	ssyncset.done $0x0  }
0x64: {  	[sflag:s28] =	ssyncadd.s32 $0xFFFFCE00  }
0x65: {  	[spmem:s1] =	stream.indirect.scatter.add.f32 [tilespmem:s20], [sflag:$0x3], $0x10, s22, s23, $0xb8;
	[tilespmem:$0x1F880] =	vst v63  }
0x66: {  	s6 =	sadd.s32 s6, s9;
	_ =	swait.ge [sflag:s29], $0x3200  }
0x67: {  	s6 =	sshrl.u32 s6, $0x3;
	[sflag:s29] =	ssyncset.done $0x0  }
0x68: {  	s12 =	simm.s32 $0x0;
	s6 =	sadd.s32 s5, s6;
	[sflag:s29] =	ssyncadd.s32 $0xFFFFCE00  }
0x69: {  	[tilespmem:s12], [sflag:$0x5] =	stream.linear.gather [hbm4b:s6+s12], $0x320, $0x38;
	[tilespmem:$0x1F880] =	vst v63  }
0x6a: {  	_ =	swait.ge [sflag:s21], $0x320  }
0x6b: {  	[sflag:s21] =	ssyncset.done $0x0  }
0x6c: {  	s6 =	sadd.s32 $0x30D40, s6;
	[sflag:s21] =	ssyncadd.s32 $0xFFFFFCE0  }
0x6d: {  	[tilespmem:s22], [sflag:$0x5] =	stream.linear.gather [hbm4b:s6+s12], $0x320, $0x38;
	[tilespmem:$0x1F880] =	vst v63  }
0x6e: {  	_ =	swait.ge [sflag:s21], $0x320  }
0x6f: {  	[sflag:s21] =	ssyncset.done $0x0  }
0x70: {  	s10 =	simm.s32 $0x40;
	s6 =	simm.s32 $0x0;
	[sflag:s21] =	ssyncadd.s32 $0xFFFFFCE0  }
.LBB2_9:
0x71: {  	p0 =	sne.s32 s10, $0xC40;
	v2 =	vld [tilespmem:s6+$0x0];
	_ =	sdelay $0x1  }
.Ltmp3:
0x72: {  	(pc) =	sbr.rel @p0 .LBB2_9-.Ltmp3, $3  }
0x73: {  	_ =	sdelay $0x1  }
0x74: {  	v2 =	vadd.s32 v0, v2  }
0x75: {  	[tilespmem:s6+$0x0] =	vst v2;
	s6 =	sshra.s32 s10, $0x2;
	s10 =	sadd.s32 $0x40, s10  }
0x76: {  	v2 =	vld [tilespmem:s6+$0x0];
	_ =	sdelay $0x4  }
0x77: {  	v2 =	vadd.s32 v0, v2  }
0x78: {  	[tilespmem:s6+$0x0] =	vst v2  }
0x79: {  	[tilespmem:s20], [sflag:$0x1] =	stream.indirect.gather [hbm4b:s4+s23], $0x10, s3, s23, $0xb8;
	[tilespmem:$0x1F880] =	vst v63  }
0x7a: {  	s7 =	sadd.s32 $0x1, s7;
	_ =	swait.ge [sflag:s30], $0x3200  }
0x7b: {  	p0 =	sne.s32 s7, $0x3E;
	[sflag:s30] =	ssyncset.done $0x0  }
.Ltmp4:
0x7c: {  	[sflag:s30] =	ssyncadd.s32 $0xFFFFCE00;
	(pc) =	sbr.rel @p0 .LBB2_6-.Ltmp4, $4  }
0x7d: {  	[spmem:s1] =	stream.indirect.scatter.add.f32 [tilespmem:s26], [sflag:$0x4], $0x10, s25, s23, $0xb8;
	[tilespmem:$0x1F880] =	vst v63  }
0x7e: {  	_ =	swait.ge [sflag:s31], $0x3200  }
0x7f: {  	[sflag:s31] =	ssyncset.done $0x0  }
0x80: {  	[sflag:s31] =	ssyncadd.s32 $0xFFFFCE00  }
0x81: {  	_ =	swait.ge [sflag:s28], $0x3200  }
0x82: {  	[sflag:s28] =	ssyncset.done $0x0  }
0x83: {  	[sflag:s28] =	ssyncadd.s32 $0xFFFFCE00  }
0x84: {  	[spmem:s1] =	stream.indirect.scatter.add.f32 [tilespmem:s20], [sflag:$0x3], $0x10, s22, s23, $0xb8;
	[tilespmem:$0x1F880] =	vst v63  }
0x85: {  	_ =	swait.ge [sflag:s29], $0x3200  }
0x86: {  	[sflag:s29] =	ssyncset.done $0x0  }
0x87: {  	s2 =	stileid.u32;
	[sflag:s29] =	ssyncadd.s32 $0xFFFFCE00  }
0x88: {  	s2 =	sshll.u32 s2, $0x6;
	[bflag:$0x0] =	sbarrier.arrive $0xFFFF  }
0x89: {  	s2 =	sor.u32 $0x1C05, s2;
	s6 =	rddreg [dreg:$0x5]  }
0x8a: {  	[hbm:s6], [sflag:s2] =	dma.local [spmem:s24], $0x3100  }
0x8b: {  	_ =	swait.ge [sflag:s21], $0x3100  }
0x8c: {  	s0 =	sadd.s32 $0x1, s0;
	s12 =	rddreg [dreg:$0x6]  }
0x8d: {  	p0 =	sne.s32 s0, s12  }
.Ltmp5:
0x8e: {  	_ = 	snop;
	(pc) =	sbr.rel @p0 .LBB2_1-.Ltmp5, $3  }
0x8f: {  	_ =	sdelay $0x1  }
0x90: {  	[sflag:s21] =	ssyncset.done $0x0  }
0x91: {  	[sflag:s21] =	ssyncadd.s32 $0xFFFFCF00  }
0x92: {  	_ =	sfence.sel $0x180000  }
0x93: {  	[bflag:$0x0] =	sbarrier.arrive $0xFFFF  }
0x94: {  	_ =	strace $0x9000004A  }
0x95: {  	s0 =	stileid.u32;
	[bflag:$0x2] =	sbarrier.arrive $0xFFFF  }
0x96: {  	p0 =	sne.s32 s0, $0x0;
	s0 =	rddreg [dreg:$0x2]  }
0x97: {  	s0 =	sadd.s32 @!p0 $0x100000, s0  }
0x98: {  	[sflag:s0] =	ssyncadd.tile.s32 @!p0 $0x1;
	_ =	shalt  }
.Lfunc_end2:
_tile_overlayer_lowered:
.L_overlay_start_2:
0x99: {  	(tag) =	ssettag $0x2  }
0x9a: {  	s0 =	rddreg [dreg:$0x0];
	s2 =	stileid.u32  }
0x9b: {  	s1 =	rddreg [dreg:$0x1];
	p0 =	sne.s32 s2, $0x0  }
0x9c: {  	s3 =	rddreg [dreg:$0x2];
	[bflag:$0x3] =	sbarrier.arrive $0xFFFF;
	s2 =	simm.s32 @!p0 $0x1C05  }
0x9d: {  	[timem:s3], [sflag:s2] =	dma.local @!p0 [hbm:s0], s1  }
0x9e: {  	s0 =	simm.s32 @!p0 $0x5  }
0x9f: {  	_ =	swait.ge @!p0 [sflag:s0], s1  }
0xa0: {  	s1 =	ssub.s32 @!p0 $0x0, s1;
	[sflag:s0] =	ssyncset.done @!p0 $0x0  }
0xa1: {  	[sflag:s0] =	ssyncadd.s32 @!p0 s1  }
0xa2: {  	[bflag:$0x3] =	sbarrier.arrive $0xFFFF  }
0xa3: {  	_ =	shalt  }

// kernel: kernel.14.cloned.1.call-start
scs
__scs_entry_jumppad:
0x0: {  	(pc) =	sbr.rel $0x88, $3  }
0x1: {  	(tag) =	ssettag $0x0;
	lr =	simm.s32 $0x1  }
0x2: {  	[smem:$0x3F98] =	sst lr;
	_ =	strace $0xD0000000  }
0x3: {  	_ = 	snop  }
0x4: {  	_ = 	snop  }
0x5: {  	_ = 	snop  }
0x6: {  	_ = 	snop  }
0x7: {  	_ = 	snop  }
__scs_overlays_trampoline_lowered:
0x8: {  	[smem:$0x3FA7] =	sst s0  }
0x9: {  	[smem:$0x3FA8] =	sst s1  }
0xa: {  	[smem:$0x3FA9] =	sst s2  }
0xb: {  	[smem:$0x3FAA] =	sst s3  }
0xc: {  	[smem:$0x3FAB] =	sst s4  }
0xd: {  	[smem:$0x3FAC] =	sst s5  }
0xe: {  	[smem:$0x3FAD] =	sst s6  }
0xf: {  	[smem:$0x3FAE] =	sst s7  }
0x10: {  	[smem:$0x3FAF] =	sst s8  }
0x11: {  	[smem:$0x3FB0] =	sst s9;
	s0 =	simm.s32 @!p0 $0x0  }
0x12: {  	s1 =	sld [smem:$0x3F96];
	s0 =	simm.s32 @p0 $0x1  }
0x13: {  	[smem:$0x3FB1] =	sst s0;
	s0 =	simm.s32 @!p1 $0x0  }
0x14: {  	s2 =	sld [smem:$0x3F95];
	s0 =	simm.s32 @p1 $0x1  }
0x15: {  	[smem:$0x3FB2] =	sst s0;
	s0 =	simm.s32 @!p2 $0x0  }
0x16: {  	s3 =	sld [smem:$0x3FDB];
	s0 =	simm.s32 @p2 $0x1  }
0x17: {  	s4 =	simm.s32 $0x1BF5;
	[smem:$0x3FB4] =	sst s0  }
0x18: {  	s0 =	sld [smem:$0x3F97];
	_ =	swait.ge [sflag:s4], $0x0  }
0x19: {  	s7 =	sld [smem:$0x3F98]  }
0x1a: {  	s8 =	sadd.s32 $0xFFFFE003, lr  }
0x1b: {  	s9 =	sadd.s32 $0xFFFFFEF7, lr;
	s5 =	simm.s32 $0xFFFFFFFF;
	p2 =	slt.u32 s8, $0xFFFFF086  }
0x1c: {  	p1 =	slt.u32 s9, $0xF7A;
	s5 =	simm.s32 @!p2 $0x0  }
0x1d: {  	s5 =	simm.s32 @p1 $0x1;
	p0 =	seq.s32 s7, s2  }
0x1e: {  	s7 =	smul.u32 @!p0 $0xF7A, s2;
	p2 =	seq.s32 @!p0 s5, $0x0  }
0x1f: {  	s9 =	smul.u32 $0xF7A, s1;
	s8 =	simm.s32 @!p0 $0x1BF5;
	p2 =	por !p2, p0  }
0x20: {  	[sflag:s8] =	ssyncset.s32 @!p0 $0xFFFFF086;
	s6 =	sadd.s32 @!p0 s3, s7;
	s7 =	simm.s32 @!p0 $0x108  }
0x21: {  	s3 =	sadd.s32 s3, s9;
	s6 =	sadd.s32 @!p0 $0x88, s6;
	s7 =	simm.s32 @p2 $0x1082  }
0x22: {  	[simem:s7], [sflag:s8] =	dma.local @!p0 [hbm:s6], $0xF7A  }
0x23: {  	s9 =	sor.u32 $0xD0000000, s2;
	s6 =	simm.s32 $0x108;
	_ =	swait.ge @!p0 [sflag:s8], $0x0  }
0x24: {  	s3 =	sadd.s32 $0x88, s3;
	s6 =	simm.s32 @!p1 $0x1082;
	[sflag:s4] =	ssyncset.s32 $0xFFFFF086  }
0x25: {  	[simem:s6], [sflag:s4] =	dma.local [hbm:s3], $0xF7A  }
0x26: {  	[smem:$0x3F98] =	sst s1;
	(tag) =	ssettag s2;
	_ =	strace s9  }
0x27: {  	s1 =	sld [smem:$0x3FA8]  }
0x28: {  	s2 =	sld [smem:$0x3FA9]  }
0x29: {  	s4 =	sld [smem:$0x3FAB]  }
0x2a: {  	p0 =	seq.s32 s5, $0x0;
	s5 =	sld [smem:$0x3FAC]  }
0x2b: {  	s6 =	sld [smem:$0x3FAD]  }
0x2c: {  	s7 =	sld [smem:$0x3FAE]  }
0x2d: {  	s3 =	simm.s32 $0x108;
	s8 =	sld [smem:$0x3FAF]  }
0x2e: {  	s3 =	simm.s32 @!p0 $0x1082;
	s9 =	sld [smem:$0x3FB0]  }
0x2f: {  	lr =	sadd.s32 s0, s3;
	s0 =	sld [smem:$0x3FA7]  }
0x30: {  	s3 =	sld [smem:$0x3FAA]  }
0x31: {  	[smem:$0x3FB3] =	sst s10  }
0x32: {  	s10 =	sld [smem:$0x3FB1];
	_ =	sdelay $0x3  }
0x33: {  	p0 =	seq.s32 s10, $0x1;
	s10 =	sld [smem:$0x3FB3];
	_ =	sdelay $0x3  }
0x34: {  	[smem:$0x3FB3] =	sst s10  }
0x35: {  	s10 =	sld [smem:$0x3FB2];
	_ =	sdelay $0x3  }
0x36: {  	p1 =	seq.s32 s10, $0x1;
	s10 =	sld [smem:$0x3FB3];
	_ =	sdelay $0x3  }
0x37: {  	[smem:$0x3FB3] =	sst s10  }
0x38: {  	s10 =	sld [smem:$0x3FB4]  }
0x39: {  	_ = 	snop;
	(pc) =	sbr.ind lr, $3  }
0x3a: {  	_ = 	snop  }
0x3b: {  	_ = 	snop  }
0x3c: {  	p2 =	seq.s32 s10, $0x1;
	s10 =	sld [smem:$0x3FB3]  }
0x3d: {  	_ =	shalt  }
0x3e: {  	_ =	shalt  }
0x3f: {  	_ =	shalt  }
0x40: {  	_ =	shalt  }
0x41: {  	_ =	shalt  }
0x42: {  	_ =	shalt  }
0x43: {  	_ =	shalt  }
0x44: {  	_ =	shalt  }
0x45: {  	_ =	shalt  }
0x46: {  	_ =	shalt  }
0x47: {  	_ =	shalt  }
0x48: {  	_ =	shalt  }
0x49: {  	_ =	shalt  }
0x4a: {  	_ =	shalt  }
0x4b: {  	_ =	shalt  }
0x4c: {  	_ =	shalt  }
0x4d: {  	_ =	shalt  }
0x4e: {  	_ =	shalt  }
0x4f: {  	_ =	shalt  }
0x50: {  	_ =	shalt  }
0x51: {  	_ =	shalt  }
0x52: {  	_ =	shalt  }
0x53: {  	_ =	shalt  }
0x54: {  	_ =	shalt  }
0x55: {  	_ =	shalt  }
0x56: {  	_ =	shalt  }
0x57: {  	_ =	shalt  }
0x58: {  	_ =	shalt  }
0x59: {  	_ =	shalt  }
0x5a: {  	_ =	shalt  }
0x5b: {  	_ =	shalt  }
0x5c: {  	_ =	shalt  }
0x5d: {  	_ =	shalt  }
0x5e: {  	_ =	shalt  }
0x5f: {  	_ =	shalt  }
0x60: {  	_ =	shalt  }
0x61: {  	_ =	shalt  }
0x62: {  	_ =	shalt  }
0x63: {  	_ =	shalt  }
0x64: {  	_ =	shalt  }
0x65: {  	_ =	shalt  }
0x66: {  	_ =	shalt  }
0x67: {  	_ =	shalt  }
0x68: {  	_ =	shalt  }
0x69: {  	_ =	shalt  }
0x6a: {  	_ =	shalt  }
0x6b: {  	_ =	shalt  }
0x6c: {  	_ =	shalt  }
0x6d: {  	_ =	shalt  }
0x6e: {  	_ =	shalt  }
0x6f: {  	_ =	shalt  }
0x70: {  	_ =	shalt  }
0x71: {  	_ =	shalt  }
0x72: {  	_ =	shalt  }
0x73: {  	_ =	shalt  }
0x74: {  	_ =	shalt  }
0x75: {  	_ =	shalt  }
0x76: {  	_ =	shalt  }
0x77: {  	_ =	shalt  }
0x78: {  	_ =	shalt  }
0x79: {  	_ =	shalt  }
0x7a: {  	_ =	shalt  }
0x7b: {  	_ =	shalt  }
0x7c: {  	_ =	shalt  }
0x7d: {  	_ =	shalt  }
0x7e: {  	_ =	shalt  }
0x7f: {  	_ =	shalt  }
0x80: {  	_ =	shalt  }
0x81: {  	_ =	shalt  }
0x82: {  	_ =	shalt  }
0x83: {  	_ =	shalt  }
0x84: {  	_ =	shalt  }
0x85: {  	_ =	shalt  }
0x86: {  	_ =	shalt  }
0x87: {  	_ =	shalt  }
.Lfunc_end0:
.L_simem_size_0:
called_computation.2_lowered:
.L_overlay_start_0:
0x88: {  	s2 =	sld [smem:$0x3FD9]  }
0x89: {  	s3 =	sld [smem:$0x3FFE];
	_ =	sdelay $0x1  }
0x8a: {  	s1 =	srdreg.scid  }
0x8b: {  	s0 =	sand.u32 $0x1, s1  }
0x8c: {  	s16 =	sshll.u32 s0, $0xA;
	s2 =	sadd.s32 s3, s2  }
0x8d: {  	s2 =	sadd.s32 s2, s16  }
0x8e: {  	[smem:$0x3FBF] =	sst s2  }
0x8f: {  	_ = 	snop  }
0x90: {  	(tm) =	ssettm $0x1  }
0x91: {  	s17 =	sld [smem:$0x3FFB];
	_ =	sdelay $0x3  }
0x92: {  	_ =	strace s17  }
0x93: {  	s2 =	sld [smem:$0x3FFC];
	_ =	sdelay $0x3  }
0x94: {  	_ =	strace s2  }
0x95: {  	s2 =	sld [smem:$0x3FFD];
	_ =	sdelay $0x3  }
0x96: {  	_ =	strace s2  }
0x97: {  	_ =	strace $0x8FFFFFFF  }
0x98: {  	s18 =	sld [smem:$0x3FDB];
	_ =	sdelay $0x1  }
0x99: {  	s19 =	simm.s32 $_scs_section_size  }
0x9a: {  	s4 =	simm.s32 $_size__tile_overlayer_lowered;
	s5 =	simm.s32 $_tile_overlayer_lowered  }
0x9b: {  	s22 =	simm.s32 $0x1BFF;
	s21 =	sshll.u32 s5, $0x1;
	s2 =	sadd.s32 s19, s18  }
0x9c: {  	s6 =	simm.s32 $0x0;
	s20 =	sshll.u32 s4, $0x1;
	s4 =	sadd.s32 s21, s2  }
0x9d: {  	[timem:s6], [sflag:s22] =	dma.local [hbm:s4], s20  }
0x9e: {  	_ =	swait.ge [sflag:s22], s20  }
0x9f: {  	s3 =	ssub.s32 $0x0, s20;
	[sflag:s22] =	ssyncset.done $0x0  }
0xa0: {  	[sflag:s22] =	ssyncadd.s32 s3;
	_ =	sdelay $0x1  }
0xa1: {  	s23 =	simm.s32 $0x1B8B  }
0xa2: {  	_ =	swait.ge [sflag:s23], $0x1  }
0xa3: {  	[sflag:s23] =	ssyncset.done $0x0  }
0xa4: {  	s25 =	simm.s32 $0x1B8E;
	s24 =	sld [smem:$0x3FFE];
	[sflag:s23] =	ssyncadd.s32 $0xFFFFFFFF  }
0xa5: {  	s26 =	simm.s32 $execute0_lowered;
	[smem:$0x3FD2] =	sst s25  }
0xa6: {  	s4 =	sshll.u32 s26, $0x1;
	_ =	strace $0x8000004C;
	[dreg:$0x1] =	wrdreg $0xFFFFFFFF  }
0xa7: {  	s28 =	simm.s32 $_size_execute0_lowered;
	s2 =	sadd.s32 s2, s4;
	[dreg:$0x0] =	wrdreg $0x0  }
0xa8: {  	s4 =	sshll.u32 s28, $0x1;
	[dreg:$0x2] =	wrdreg s2  }
0xa9: {  	[dreg:$0x3] =	wrdreg s4  }
0xaa: {  	[dreg:$0x4] =	wrdreg $0xC0  }
0xab: {  	_ =	task [dreg:s6], $0x5FFFF  }
0xac: {  	[dreg:$0x1] =	wrdreg $0xFFFFFFFF  }
0xad: {  	[dreg:$0x0] =	wrdreg $0x60  }
0xae: {  	[dreg:$0x2] =	wrdreg s24  }
0xaf: {  	[dreg:$0x3] =	wrdreg $0x4E200  }
0xb0: {  	[dreg:$0x4] =	wrdreg $0x9  }
0xb1: {  	_ =	task.clear_ibuf [dreg:s6], $0x5FFFF;
	_ =	strace $0x9000004C  }
0xb2: {  	s29 =	simm.s32 $0x9;
	_ =	strace $0x8000004E  }
0xb3: {  	_ =	swait.ge [sflag:s29], $0x1  }
0xb4: {  	[sflag:s29] =	ssyncadd.s32 $0xFFFFFFFF  }
0xb5: {  	_ =	strace $0x9000004E  }
0xb6: {  	_ =	sfence  }
0xb7: {  	s30 =	sld [smem:$0x0];
	_ =	sdelay $0x2  }
0xb8: {  	s31 =	sshll.u32 s1, $0xD;
	s1 =	sshrl.u32 s1, $0x2  }
0xb9: {  	s3 =	sand.u32 $0x4000, s31;
	s1 =	sadd.s32 s1, s30  }
0xba: {  	s0 =	sor.u32 s3, s0;
	s1 =	sshll.u32 s1, $0x11  }
0xbb: {  	s0 =	sor.u32 s1, s0  }
0xbc: {  	s0 =	sadd.s32 $0x8F2B, s0  }
0xbd: {  	[sflag:s0] =	ssyncadd.remote.s32 $0x1  }
0xbe: {  	_ =	sfence.sel $0xFFFF  }
0xbf: {  	[dreg:$0x0] =	wrdreg $0xFFFFFFFF;
	(pc) =	sbr.abs _section_cstart, $3  }
0xc0: {  	[dreg:$0x1] =	wrdreg $0xFFFFFFFF  }
0xc1: {  	_ =	task.clear_ibuf [dreg:s6], $0x2FFFF;
	_ =	strace $0x9FFFFFFF  }
0xc2: {  	(tm) =	ssettm $0x7FFFFFFF  }
0xc3: {  	_ =	shalt  }
tec
execute0_lowered:
.L_overlay_start_1:
0x0: {  	(tag) =	ssettag $0x1  }
0x1: {  	s0 =	rddreg [dreg:$0x0]  }
0x2: {  	s2 =	rddreg [dreg:$0x1];
	s12 =	stileid.u32  }
0x3: {  	s1 =	srdreg.scid;
	s3 =	simm.s32 $0x0;
	s28 =	simm.s32 $0x2  }
0x4: {  	s29 =	simm.s32 $0x4;
	s30 =	simm.s32 $0x0;
	s6 =	smul.u32 $0xC400, s12  }
0x5: {  	s1 =	sand.u32 $0x1, s1;
	[smem:$0x7FF] =	sst s3;
	s8 =	smul.u32 $0xC350, s12  }
0x6: {  	s4 =	sadd.s32 $0x66A00, s0;
	s5 =	sadd.s32 $0x1C00, s0;
	s7 =	smul.u32 $0xC4000, s1  }
0x7: {  	s19 =	sshll.u32 s12, $0x6;
	s10 =	smul.u32 $0xC3500, s1;
	s1 =	ssub.s32 $0x2, s1  }
0x8: {  	_ =	strace $0x8000004D;
	s9 =	sshrl.u32 s6, $0x3;
	s11 =	sshrl.u32 s1, $0x1  }
0x9: {  	s18 =	sadd.s32 s6, s2;
	s9 =	sadd.s32 s9, s0;
	s7 =	sadd.s32 s6, s7  }
0xa: {  	s15 =	sadd.s32 s8, s10;
	s1 =	ssub.s32 s1, s11;
	s8 =	sor.u32 $0x1C05, s19  }
0xb: {  	s18 =	sshrl.u32 s18, $0x3;
	s19 =	simm.s32 $0x5;
	s7 =	sshrl.u32 s7, $0x3  }
0xc: {  	s17 =	sshrl.u32 s15, $0x3;
	s20 =	sadd.s32 $0xC8A00, s9;
	s22 =	sadd.s32 $0xBF68, s15  }
0xd: {  	s23 =	sadd.s32 $0x192968, s15;
	s11 =	smax.u32 s1, $0x1;
	s25 =	sadd.s32 $0x1871D0, s15  }
0xe: {  	s14 =	sadd.s32 $0x7D0, s15;
	s26 =	sadd.s32 $0x3E8, s15;
	s31 =	sadd.s32 $0x186DE8, s15  }
0xf: {  	s0 =	sadd.s32 s7, s0;
	s6 =	sadd.s32 s5, s17;
	[dreg:$0x3] =	wrdreg s20  }
0x10: {  	s24 =	sshrl.u32 s23, $0x3;
	s1 =	sshrl.u32 s26, $0x3;
	s7 =	sshrl.u32 s31, $0x3  }
0x11: {  	s20 =	simm.s32 $0x7D0;
	s23 =	simm.s32 $0xBB8;
	s26 =	simm.s32 $0x3  }
0x12: {  	s21 =	sadd.s32 $0x30D40, s6;
	s0 =	sadd.s32 $0x7F200, s0;
	s13 =	sadd.s32 s5, s24  }
0x13: {  	s16 =	sadd.s32 s1, s5;
	s17 =	sadd.s32 s7, s5;
	[dreg:$0x4] =	wrdreg s21  }
0x14: {  	s24 =	simm.s32 $0x2EE0;
	[dreg:$0x5] =	wrdreg s0;
	s0 =	sshrl.u32 s22, $0x3  }
0x15: {  	s21 =	simm.s32 $0x3E8;
	s12 =	sadd.s32 s5, s0;
	s0 =	sshrl.u32 s25, $0x3  }
0x16: {  	s22 =	simm.s32 $0xFA0;
	s25 =	simm.s32 $0x1;
	s15 =	sadd.s32 s0, s5  }
.LBB2_1:
0x17: {  	s0 =	rddreg [dreg:$0x3]  }
0x18: {  	[spmem:s18], [sflag:s8] =	dma.local [hbm:s0], $0x1880  }
0x19: {  	_ =	swait.ge [sflag:s19], $0x1880  }
0x1a: {  	[sflag:s19] =	ssyncset.done $0x0  }
0x1b: {  	[sflag:s19] =	ssyncadd.s32 $0xFFFFE780  }
0x1c: {  	[bflag:$0x0] =	sbarrier.arrive $0xFFFF  }
0x1d: {  	[tilespmem:s3], [sflag:$0x5] =	stream.linear.gather [hbm4b:s6+s3], $0x3E8, $0x38;
	[tilespmem:$0x11220] =	vst v63  }
0x1e: {  	_ =	swait.ge [sflag:s19], $0x3E8  }
0x1f: {  	[sflag:s19] =	ssyncset.done $0x0  }
0x20: {  	s10 =	rddreg [dreg:$0x4];
	[sflag:s19] =	ssyncadd.s32 $0xFFFFFC18  }
0x21: {  	[tilespmem:s20], [sflag:$0x5] =	stream.linear.gather [hbm4b:s10+s3], $0x3E8, $0x38;
	[tilespmem:$0x11220] =	vst v63  }
0x22: {  	_ =	swait.ge [sflag:s19], $0x3E8  }
0x23: {  	[sflag:s19] =	ssyncset.done $0x0  }
0x24: {  	[sflag:s19] =	ssyncadd.s32 $0xFFFFFC18  }
0x25: {  	[tilespmem:s22], [sflag:$0x1] =	stream.indirect.gather [hbm4b:s4+s21], $0x8, s3, s21, $0xb8;
	[tilespmem:$0x11220] =	vst v63  }
0x26: {  	s1 =	sadd.s32 $0x0, s16  }
0x27: {  	[tilespmem:s21], [sflag:$0x5] =	stream.linear.gather [hbm4b:s1+s3], $0x3E8, $0x38;
	[tilespmem:$0x11220] =	vst v63  }
0x28: {  	_ =	swait.ge [sflag:s19], $0x3E8  }
0x29: {  	[sflag:s19] =	ssyncset.done $0x0  }
0x2a: {  	s7 =	sadd.s32 $0x0, s17;
	[sflag:s19] =	ssyncadd.s32 $0xFFFFFC18  }
0x2b: {  	[tilespmem:s23], [sflag:$0x5] =	stream.linear.gather [hbm4b:s7+s3], $0x3E8, $0x38;
	[tilespmem:$0x11220] =	vst v63  }
0x2c: {  	_ =	swait.ge [sflag:s19], $0x3E8  }
0x2d: {  	[sflag:s19] =	ssyncset.done $0x0  }
0x2e: {  	[sflag:s19] =	ssyncadd.s32 $0xFFFFFC18  }
0x2f: {  	[tilespmem:s24], [sflag:$0x2] =	stream.indirect.gather [hbm4b:s4+s21], $0x8, s21, s21, $0xb8;
	[tilespmem:$0x11220] =	vst v63  }
0x30: {  	_ =	swait.ge [sflag:s25], $0x1F40  }
0x31: {  	[sflag:s25] =	ssyncset.done $0x0  }
0x32: {  	[sflag:s25] =	ssyncadd.s32 $0xFFFFE0C0  }
0x33: {  	[spmem:s2] =	stream.indirect.scatter.add.f32 [tilespmem:s22], [sflag:$0x3], $0x8, s20, s21, $0xb8;
	[tilespmem:$0x11220] =	vst v63  }
0x34: {  	_ =	swait.ge [sflag:s26], $0x1F40  }
0x35: {  	s9 =	sshrl.u32 s14, $0x3;
	[sflag:s26] =	ssyncset.done $0x0  }
0x36: {  	s0 =	sadd.s32 s5, s9;
	[sflag:s26] =	ssyncadd.s32 $0xFFFFE0C0  }
0x37: {  	[tilespmem:s3], [sflag:$0x5] =	stream.linear.gather [hbm4b:s0+s3], $0x3E8, $0x38;
	[tilespmem:$0x11220] =	vst v63  }
0x38: {  	_ =	swait.ge [sflag:s19], $0x3E8  }
0x39: {  	[sflag:s19] =	ssyncset.done $0x0  }
0x3a: {  	s10 =	sadd.s32 $0x0, s15;
	[sflag:s19] =	ssyncadd.s32 $0xFFFFFC18  }
0x3b: {  	[tilespmem:s20], [sflag:$0x5] =	stream.linear.gather [hbm4b:s10+s3], $0x3E8, $0x38;
	[tilespmem:$0x11220] =	vst v63  }
0x3c: {  	_ =	swait.ge [sflag:s19], $0x3E8  }
0x3d: {  	[sflag:s19] =	ssyncset.done $0x0  }
0x3e: {  	[sflag:s19] =	ssyncadd.s32 $0xFFFFFC18  }
0x3f: {  	[tilespmem:s22], [sflag:$0x1] =	stream.indirect.gather [hbm4b:s4+s21], $0x8, s3, s21, $0xb8;
	[tilespmem:$0x11220] =	vst v63  }
0x40: {  	_ =	swait.ge [sflag:s28], $0x1F40  }
0x41: {  	[sflag:s28] =	ssyncset.done $0x0  }
0x42: {  	[sflag:s28] =	ssyncadd.s32 $0xFFFFE0C0  }
0x43: {  	[spmem:s2] =	stream.indirect.scatter.add.f32 [tilespmem:s24], [sflag:$0x4], $0x8, s23, s21, $0xb8;
	[tilespmem:$0x11220] =	vst v63  }
0x44: {  	s31 =	simm.s32 $0xFA;
	_ =	swait.ge [sflag:s29], $0x1F40  }
0x45: {  	s1 =	simm.s32 $0x1F4;
	s0 =	sadd.s32 $0x7D0, s14;
	[sflag:s29] =	ssyncset.done $0x0  }
.LBB2_2:
0x46: {  	s9 =	sadd.s32 s31, s16  }
0x47: {  	[sflag:s29] =	ssyncadd.s32 $0xFFFFE0C0;
	s10 =	smov.u32 s1;
	s7 =	sadd.s32 $0xFA, s1  }
0x48: {  	[tilespmem:s21], [sflag:$0x5] =	stream.linear.gather [hbm4b:s9+s3], $0x3E8, $0x38;
	[tilespmem:$0x11220] =	vst v63  }
0x49: {  	p0 =	sne.s32 s1, $0x1676;
	_ =	swait.ge [sflag:s19], $0x3E8  }
0x4a: {  	[sflag:s19] =	ssyncset.done $0x0  }
0x4b: {  	s1 =	sadd.s32 s31, s17;
	[sflag:s19] =	ssyncadd.s32 $0xFFFFFC18  }
0x4c: {  	[tilespmem:s23], [sflag:$0x5] =	stream.linear.gather [hbm4b:s1+s3], $0x3E8, $0x38;
	[tilespmem:$0x11220] =	vst v63  }
0x4d: {  	_ =	swait.ge [sflag:s19], $0x3E8  }
0x4e: {  	[sflag:s19] =	ssyncset.done $0x0  }
0x4f: {  	[sflag:s19] =	ssyncadd.s32 $0xFFFFFC18  }
0x50: {  	[tilespmem:s24], [sflag:$0x2] =	stream.indirect.gather [hbm4b:s4+s21], $0x8, s21, s21, $0xb8;
	[tilespmem:$0x11220] =	vst v63  }
0x51: {  	_ =	swait.ge [sflag:s25], $0x1F40  }
0x52: {  	[sflag:s25] =	ssyncset.done $0x0  }
0x53: {  	[sflag:s25] =	ssyncadd.s32 $0xFFFFE0C0  }
0x54: {  	[spmem:s2] =	stream.indirect.scatter.add.f32 [tilespmem:s22], [sflag:$0x3], $0x8, s20, s21, $0xb8;
	[tilespmem:$0x11220] =	vst v63  }
0x55: {  	_ =	swait.ge [sflag:s26], $0x1F40  }
0x56: {  	s1 =	sshrl.u32 s0, $0x3;
	[sflag:s26] =	ssyncset.done $0x0  }
0x57: {  	s1 =	sadd.s32 s5, s1;
	[sflag:s26] =	ssyncadd.s32 $0xFFFFE0C0  }
0x58: {  	[tilespmem:s3], [sflag:$0x5] =	stream.linear.gather [hbm4b:s1+s3], $0x3E8, $0x38;
	[tilespmem:$0x11220] =	vst v63  }
0x59: {  	_ =	swait.ge [sflag:s19], $0x3E8  }
0x5a: {  	[sflag:s19] =	ssyncset.done $0x0  }
0x5b: {  	s1 =	sadd.s32 s31, s15;
	s31 =	smov.u32 s10;
	[sflag:s19] =	ssyncadd.s32 $0xFFFFFC18  }
0x5c: {  	[tilespmem:s20], [sflag:$0x5] =	stream.linear.gather [hbm4b:s1+s3], $0x3E8, $0x38;
	[tilespmem:$0x11220] =	vst v63  }
0x5d: {  	_ =	swait.ge [sflag:s19], $0x3E8  }
0x5e: {  	[sflag:s19] =	ssyncset.done $0x0  }
0x5f: {  	[sflag:s19] =	ssyncadd.s32 $0xFFFFFC18  }
0x60: {  	[tilespmem:s22], [sflag:$0x1] =	stream.indirect.gather [hbm4b:s4+s21], $0x8, s3, s21, $0xb8;
	[tilespmem:$0x11220] =	vst v63  }
0x61: {  	_ =	swait.ge [sflag:s28], $0x1F40  }
.Ltmp0:
0x62: {  	[sflag:s28] =	ssyncset.done $0x0;
	(pc) =	sbr.rel @p0 .LBB2_2-.Ltmp0, $4  }
0x63: {  	[sflag:s28] =	ssyncadd.s32 $0xFFFFE0C0  }
0x64: {  	[spmem:s2] =	stream.indirect.scatter.add.f32 [tilespmem:s24], [sflag:$0x4], $0x8, s23, s21, $0xb8;
	[tilespmem:$0x11220] =	vst v63  }
0x65: {  	_ =	swait.ge [sflag:s29], $0x1F40  }
0x66: {  	s0 =	sadd.s32 $0x7D0, s0;
	s1 =	smov.u32 s7;
	[sflag:s29] =	ssyncset.done $0x0  }
0x67: {  	s1 =	sadd.s32 s31, s16;
	[sflag:s29] =	ssyncadd.s32 $0xFFFFE0C0  }
0x68: {  	[tilespmem:s21], [sflag:$0x5] =	stream.linear.gather [hbm4b:s1+s3], $0x3E8, $0x38;
	[tilespmem:$0x11220] =	vst v63  }
0x69: {  	_ =	swait.ge [sflag:s19], $0x3E8  }
0x6a: {  	[sflag:s19] =	ssyncset.done $0x0  }
0x6b: {  	s9 =	sadd.s32 s31, s17;
	[sflag:s19] =	ssyncadd.s32 $0xFFFFFC18  }
0x6c: {  	[tilespmem:s23], [sflag:$0x5] =	stream.linear.gather [hbm4b:s9+s3], $0x3E8, $0x38;
	[tilespmem:$0x11220] =	vst v63  }
0x6d: {  	_ =	swait.ge [sflag:s19], $0x3E8  }
0x6e: {  	[sflag:s19] =	ssyncset.done $0x0  }
0x6f: {  	[sflag:s19] =	ssyncadd.s32 $0xFFFFFC18  }
0x70: {  	[tilespmem:s24], [sflag:$0x2] =	stream.indirect.gather [hbm4b:s4+s21], $0x8, s21, s21, $0xb8;
	[tilespmem:$0x11220] =	vst v63  }
0x71: {  	_ =	swait.ge [sflag:s25], $0x1F40  }
0x72: {  	[sflag:s25] =	ssyncset.done $0x0  }
0x73: {  	[sflag:s25] =	ssyncadd.s32 $0xFFFFE0C0  }
0x74: {  	[spmem:s2] =	stream.indirect.scatter.add.f32 [tilespmem:s22], [sflag:$0x3], $0x8, s20, s21, $0xb8;
	[tilespmem:$0x11220] =	vst v63  }
0x75: {  	_ =	swait.ge [sflag:s26], $0x1F40  }
0x76: {  	s0 =	sshrl.u32 s0, $0x3;
	[sflag:s26] =	ssyncset.done $0x0  }
0x77: {  	s0 =	sadd.s32 s5, s0;
	[sflag:s26] =	ssyncadd.s32 $0xFFFFE0C0  }
0x78: {  	[tilespmem:s3], [sflag:$0x5] =	stream.linear.gather [hbm4b:s0+s3], $0x3E8, $0x38;
	[tilespmem:$0x11220] =	vst v63  }
0x79: {  	_ =	swait.ge [sflag:s19], $0x3E8  }
0x7a: {  	[sflag:s19] =	ssyncset.done $0x0  }
0x7b: {  	s10 =	sadd.s32 s31, s15;
	[sflag:s19] =	ssyncadd.s32 $0xFFFFFC18  }
0x7c: {  	[tilespmem:s20], [sflag:$0x5] =	stream.linear.gather [hbm4b:s10+s3], $0x3E8, $0x38;
	[tilespmem:$0x11220] =	vst v63  }
0x7d: {  	_ =	swait.ge [sflag:s19], $0x3E8  }
0x7e: {  	[sflag:s19] =	ssyncset.done $0x0  }
0x7f: {  	[sflag:s19] =	ssyncadd.s32 $0xFFFFFC18  }
0x80: {  	[tilespmem:s22], [sflag:$0x1] =	stream.indirect.gather [hbm4b:s4+s21], $0x8, s3, s21, $0xb8;
	[tilespmem:$0x11220] =	vst v63  }
0x81: {  	_ =	swait.ge [sflag:s28], $0x1F40  }
0x82: {  	[sflag:s28] =	ssyncset.done $0x0  }
0x83: {  	[sflag:s28] =	ssyncadd.s32 $0xFFFFE0C0  }
0x84: {  	[spmem:s2] =	stream.indirect.scatter.add.f32 [tilespmem:s24], [sflag:$0x4], $0x8, s23, s21, $0xb8;
	[tilespmem:$0x11220] =	vst v63  }
0x85: {  	_ =	swait.ge [sflag:s29], $0x1F40  }
0x86: {  	[sflag:s29] =	ssyncset.done $0x0  }
0x87: {  	[sflag:s29] =	ssyncadd.s32 $0xFFFFE0C0  }
0x88: {  	[tilespmem:s21], [sflag:$0x5] =	stream.linear.gather [hbm4b:s12+s3], $0x3E8, $0x38;
	[tilespmem:$0x11220] =	vst v63  }
0x89: {  	_ =	swait.ge [sflag:s19], $0x3E8  }
0x8a: {  	[sflag:s19] =	ssyncset.done $0x0  }
0x8b: {  	[sflag:s19] =	ssyncadd.s32 $0xFFFFFC18  }
0x8c: {  	[tilespmem:s23], [sflag:$0x5] =	stream.linear.gather [hbm4b:s13+s3], $0x3E8, $0x38;
	[tilespmem:$0x11220] =	vst v63  }
0x8d: {  	_ =	swait.ge [sflag:s19], $0x3E8  }
0x8e: {  	[sflag:s19] =	ssyncset.done $0x0  }
0x8f: {  	[sflag:s19] =	ssyncadd.s32 $0xFFFFFC18  }
0x90: {  	[tilespmem:s24], [sflag:$0x2] =	stream.indirect.gather [hbm4b:s4+s21], $0x8, s21, s21, $0xb8;
	[tilespmem:$0x11220] =	vst v63  }
0x91: {  	_ =	swait.ge [sflag:s25], $0x1F40  }
0x92: {  	[sflag:s25] =	ssyncset.done $0x0  }
0x93: {  	[sflag:s25] =	ssyncadd.s32 $0xFFFFE0C0  }
0x94: {  	[spmem:s2] =	stream.indirect.scatter.add.f32 [tilespmem:s22], [sflag:$0x3], $0x8, s20, s21, $0xb8;
	[tilespmem:$0x11220] =	vst v63  }
0x95: {  	_ =	swait.ge [sflag:s26], $0x1F40  }
0x96: {  	[sflag:s26] =	ssyncset.done $0x0  }
0x97: {  	[sflag:s26] =	ssyncadd.s32 $0xFFFFE0C0  }
0x98: {  	_ =	swait.ge [sflag:s28], $0x1F40  }
0x99: {  	[sflag:s28] =	ssyncset.done $0x0  }
0x9a: {  	[sflag:s28] =	ssyncadd.s32 $0xFFFFE0C0  }
0x9b: {  	[spmem:s2] =	stream.indirect.scatter.add.f32 [tilespmem:s24], [sflag:$0x4], $0x8, s23, s21, $0xb8;
	[tilespmem:$0x11220] =	vst v63  }
0x9c: {  	_ =	swait.ge [sflag:s29], $0x1F40  }
0x9d: {  	[sflag:s29] =	ssyncset.done $0x0  }
0x9e: {  	s30 =	sadd.s32 $0x1, s30;
	[sflag:s29] =	ssyncadd.s32 $0xFFFFE0C0  }
0x9f: {  	p0 =	sne.s32 s30, s11;
	[bflag:$0x0] =	sbarrier.arrive $0xFFFF  }
.Ltmp1:
0xa0: {  	s31 =	rddreg [dreg:$0x5];
	(pc) =	sbr.rel @p0 .LBB2_1-.Ltmp1, $4  }
0xa1: {  	[hbm:s31], [sflag:s8] =	dma.local [spmem:s18], $0x1880  }
0xa2: {  	_ =	swait.ge [sflag:s19], $0x1880  }
0xa3: {  	[sflag:s19] =	ssyncset.done $0x0  }
0xa4: {  	[sflag:s19] =	ssyncadd.s32 $0xFFFFE780  }
0xa5: {  	_ =	sfence.sel $0x180000  }
0xa6: {  	[bflag:$0x0] =	sbarrier.arrive $0xFFFF  }
0xa7: {  	_ =	strace $0x9000004D  }
0xa8: {  	s0 =	stileid.u32;
	[bflag:$0x2] =	sbarrier.arrive $0xFFFF  }
0xa9: {  	p0 =	sne.s32 s0, $0x0;
	s0 =	rddreg [dreg:$0x2]  }
0xaa: {  	s0 =	sadd.s32 @!p0 $0x100000, s0  }
0xab: {  	[sflag:s0] =	ssyncadd.tile.s32 @!p0 $0x1;
	_ =	shalt  }
.Lfunc_end2:
_tile_overlayer_lowered:
.L_overlay_start_2:
0xac: {  	(tag) =	ssettag $0x2  }
0xad: {  	s0 =	rddreg [dreg:$0x0];
	s2 =	stileid.u32  }
0xae: {  	s1 =	rddreg [dreg:$0x1];
	p0 =	sne.s32 s2, $0x0  }
0xaf: {  	s3 =	rddreg [dreg:$0x2];
	[bflag:$0x3] =	sbarrier.arrive $0xFFFF;
	s2 =	simm.s32 @!p0 $0x1C05  }
0xb0: {  	[timem:s3], [sflag:s2] =	dma.local @!p0 [hbm:s0], s1  }
0xb1: {  	s0 =	simm.s32 @!p0 $0x5  }
0xb2: {  	_ =	swait.ge @!p0 [sflag:s0], s1  }
0xb3: {  	s1 =	ssub.s32 @!p0 $0x0, s1;
	[sflag:s0] =	ssyncset.done @!p0 $0x0  }
0xb4: {  	[sflag:s0] =	ssyncadd.s32 @!p0 s1  }
0xb5: {  	[bflag:$0x3] =	sbarrier.arrive $0xFFFF  }
0xb6: {  	_ =	shalt  }

// kernel: kernel.8.cloned.1.call-start
scs
__scs_entry_jumppad:
0x0: {  	(pc) =	sbr.rel $0x88, $3  }
0x1: {  	(tag) =	ssettag $0x0;
	lr =	simm.s32 $0x1  }
0x2: {  	[smem:$0x3F98] =	sst lr;
	_ =	strace $0xD0000000  }
0x3: {  	_ = 	snop  }
0x4: {  	_ = 	snop  }
0x5: {  	_ = 	snop  }
0x6: {  	_ = 	snop  }
0x7: {  	_ = 	snop  }
__scs_overlays_trampoline_lowered:
0x8: {  	[smem:$0x3FA7] =	sst s0  }
0x9: {  	[smem:$0x3FA8] =	sst s1  }
0xa: {  	[smem:$0x3FA9] =	sst s2  }
0xb: {  	[smem:$0x3FAA] =	sst s3  }
0xc: {  	[smem:$0x3FAB] =	sst s4  }
0xd: {  	[smem:$0x3FAC] =	sst s5  }
0xe: {  	[smem:$0x3FAD] =	sst s6  }
0xf: {  	[smem:$0x3FAE] =	sst s7  }
0x10: {  	[smem:$0x3FAF] =	sst s8  }
0x11: {  	[smem:$0x3FB0] =	sst s9;
	s0 =	simm.s32 @!p0 $0x0  }
0x12: {  	s1 =	sld [smem:$0x3F96];
	s0 =	simm.s32 @p0 $0x1  }
0x13: {  	[smem:$0x3FB1] =	sst s0;
	s0 =	simm.s32 @!p1 $0x0  }
0x14: {  	s2 =	sld [smem:$0x3F95];
	s0 =	simm.s32 @p1 $0x1  }
0x15: {  	[smem:$0x3FB2] =	sst s0;
	s0 =	simm.s32 @!p2 $0x0  }
0x16: {  	s3 =	sld [smem:$0x3FDB];
	s0 =	simm.s32 @p2 $0x1  }
0x17: {  	s4 =	simm.s32 $0x1BF5;
	[smem:$0x3FB4] =	sst s0  }
0x18: {  	s0 =	sld [smem:$0x3F97];
	_ =	swait.ge [sflag:s4], $0x0  }
0x19: {  	s7 =	sld [smem:$0x3F98]  }
0x1a: {  	s8 =	sadd.s32 $0xFFFFE003, lr  }
0x1b: {  	s9 =	sadd.s32 $0xFFFFFEF7, lr;
	s5 =	simm.s32 $0xFFFFFFFF;
	p2 =	slt.u32 s8, $0xFFFFF086  }
0x1c: {  	p1 =	slt.u32 s9, $0xF7A;
	s5 =	simm.s32 @!p2 $0x0  }
0x1d: {  	s5 =	simm.s32 @p1 $0x1;
	p0 =	seq.s32 s7, s2  }
0x1e: {  	s7 =	smul.u32 @!p0 $0xF7A, s2;
	p2 =	seq.s32 @!p0 s5, $0x0  }
0x1f: {  	s9 =	smul.u32 $0xF7A, s1;
	s8 =	simm.s32 @!p0 $0x1BF5;
	p2 =	por !p2, p0  }
0x20: {  	[sflag:s8] =	ssyncset.s32 @!p0 $0xFFFFF086;
	s6 =	sadd.s32 @!p0 s3, s7;
	s7 =	simm.s32 @!p0 $0x108  }
0x21: {  	s3 =	sadd.s32 s3, s9;
	s6 =	sadd.s32 @!p0 $0x88, s6;
	s7 =	simm.s32 @p2 $0x1082  }
0x22: {  	[simem:s7], [sflag:s8] =	dma.local @!p0 [hbm:s6], $0xF7A  }
0x23: {  	s9 =	sor.u32 $0xD0000000, s2;
	s6 =	simm.s32 $0x108;
	_ =	swait.ge @!p0 [sflag:s8], $0x0  }
0x24: {  	s3 =	sadd.s32 $0x88, s3;
	s6 =	simm.s32 @!p1 $0x1082;
	[sflag:s4] =	ssyncset.s32 $0xFFFFF086  }
0x25: {  	[simem:s6], [sflag:s4] =	dma.local [hbm:s3], $0xF7A  }
0x26: {  	[smem:$0x3F98] =	sst s1;
	(tag) =	ssettag s2;
	_ =	strace s9  }
0x27: {  	s1 =	sld [smem:$0x3FA8]  }
0x28: {  	s2 =	sld [smem:$0x3FA9]  }
0x29: {  	s4 =	sld [smem:$0x3FAB]  }
0x2a: {  	p0 =	seq.s32 s5, $0x0;
	s5 =	sld [smem:$0x3FAC]  }
0x2b: {  	s6 =	sld [smem:$0x3FAD]  }
0x2c: {  	s7 =	sld [smem:$0x3FAE]  }
0x2d: {  	s3 =	simm.s32 $0x108;
	s8 =	sld [smem:$0x3FAF]  }
0x2e: {  	s3 =	simm.s32 @!p0 $0x1082;
	s9 =	sld [smem:$0x3FB0]  }
0x2f: {  	lr =	sadd.s32 s0, s3;
	s0 =	sld [smem:$0x3FA7]  }
0x30: {  	s3 =	sld [smem:$0x3FAA]  }
0x31: {  	[smem:$0x3FB3] =	sst s10  }
0x32: {  	s10 =	sld [smem:$0x3FB1];
	_ =	sdelay $0x3  }
0x33: {  	p0 =	seq.s32 s10, $0x1;
	s10 =	sld [smem:$0x3FB3];
	_ =	sdelay $0x3  }
0x34: {  	[smem:$0x3FB3] =	sst s10  }
0x35: {  	s10 =	sld [smem:$0x3FB2];
	_ =	sdelay $0x3  }
0x36: {  	p1 =	seq.s32 s10, $0x1;
	s10 =	sld [smem:$0x3FB3];
	_ =	sdelay $0x3  }
0x37: {  	[smem:$0x3FB3] =	sst s10  }
0x38: {  	s10 =	sld [smem:$0x3FB4]  }
0x39: {  	_ = 	snop;
	(pc) =	sbr.ind lr, $3  }
0x3a: {  	_ = 	snop  }
0x3b: {  	_ = 	snop  }
0x3c: {  	p2 =	seq.s32 s10, $0x1;
	s10 =	sld [smem:$0x3FB3]  }
0x3d: {  	_ =	shalt  }
0x3e: {  	_ =	shalt  }
0x3f: {  	_ =	shalt  }
0x40: {  	_ =	shalt  }
0x41: {  	_ =	shalt  }
0x42: {  	_ =	shalt  }
0x43: {  	_ =	shalt  }
0x44: {  	_ =	shalt  }
0x45: {  	_ =	shalt  }
0x46: {  	_ =	shalt  }
0x47: {  	_ =	shalt  }
0x48: {  	_ =	shalt  }
0x49: {  	_ =	shalt  }
0x4a: {  	_ =	shalt  }
0x4b: {  	_ =	shalt  }
0x4c: {  	_ =	shalt  }
0x4d: {  	_ =	shalt  }
0x4e: {  	_ =	shalt  }
0x4f: {  	_ =	shalt  }
0x50: {  	_ =	shalt  }
0x51: {  	_ =	shalt  }
0x52: {  	_ =	shalt  }
0x53: {  	_ =	shalt  }
0x54: {  	_ =	shalt  }
0x55: {  	_ =	shalt  }
0x56: {  	_ =	shalt  }
0x57: {  	_ =	shalt  }
0x58: {  	_ =	shalt  }
0x59: {  	_ =	shalt  }
0x5a: {  	_ =	shalt  }
0x5b: {  	_ =	shalt  }
0x5c: {  	_ =	shalt  }
0x5d: {  	_ =	shalt  }
0x5e: {  	_ =	shalt  }
0x5f: {  	_ =	shalt  }
0x60: {  	_ =	shalt  }
0x61: {  	_ =	shalt  }
0x62: {  	_ =	shalt  }
0x63: {  	_ =	shalt  }
0x64: {  	_ =	shalt  }
0x65: {  	_ =	shalt  }
0x66: {  	_ =	shalt  }
0x67: {  	_ =	shalt  }
0x68: {  	_ =	shalt  }
0x69: {  	_ =	shalt  }
0x6a: {  	_ =	shalt  }
0x6b: {  	_ =	shalt  }
0x6c: {  	_ =	shalt  }
0x6d: {  	_ =	shalt  }
0x6e: {  	_ =	shalt  }
0x6f: {  	_ =	shalt  }
0x70: {  	_ =	shalt  }
0x71: {  	_ =	shalt  }
0x72: {  	_ =	shalt  }
0x73: {  	_ =	shalt  }
0x74: {  	_ =	shalt  }
0x75: {  	_ =	shalt  }
0x76: {  	_ =	shalt  }
0x77: {  	_ =	shalt  }
0x78: {  	_ =	shalt  }
0x79: {  	_ =	shalt  }
0x7a: {  	_ =	shalt  }
0x7b: {  	_ =	shalt  }
0x7c: {  	_ =	shalt  }
0x7d: {  	_ =	shalt  }
0x7e: {  	_ =	shalt  }
0x7f: {  	_ =	shalt  }
0x80: {  	_ =	shalt  }
0x81: {  	_ =	shalt  }
0x82: {  	_ =	shalt  }
0x83: {  	_ =	shalt  }
0x84: {  	_ =	shalt  }
0x85: {  	_ =	shalt  }
0x86: {  	_ =	shalt  }
0x87: {  	_ =	shalt  }
.Lfunc_end0:
.L_simem_size_0:
called_computation_lowered:
.L_overlay_start_0:
0x88: {  	s2 =	sld [smem:$0x3FD9]  }
0x89: {  	s3 =	sld [smem:$0x3FFE];
	_ =	sdelay $0x1  }
0x8a: {  	s1 =	srdreg.scid  }
0x8b: {  	s0 =	sand.u32 $0x1, s1  }
0x8c: {  	s16 =	sshll.u32 s0, $0xA;
	s2 =	sadd.s32 s3, s2  }
0x8d: {  	s2 =	sadd.s32 s2, s16  }
0x8e: {  	[smem:$0x3FBF] =	sst s2  }
0x8f: {  	_ = 	snop  }
0x90: {  	(tm) =	ssettm $0x1  }
0x91: {  	s17 =	sld [smem:$0x3FFB];
	_ =	sdelay $0x3  }
0x92: {  	_ =	strace s17  }
0x93: {  	s2 =	sld [smem:$0x3FFC];
	_ =	sdelay $0x3  }
0x94: {  	_ =	strace s2  }
0x95: {  	s2 =	sld [smem:$0x3FFD];
	_ =	sdelay $0x3  }
0x96: {  	_ =	strace s2  }
0x97: {  	_ =	strace $0x8FFFFFFF  }
0x98: {  	s18 =	sld [smem:$0x3FDB];
	_ =	sdelay $0x1  }
0x99: {  	s19 =	simm.s32 $_scs_section_size  }
0x9a: {  	s4 =	simm.s32 $_size__tile_overlayer_lowered;
	s5 =	simm.s32 $_tile_overlayer_lowered  }
0x9b: {  	s22 =	simm.s32 $0x1BFF;
	s21 =	sshll.u32 s5, $0x1;
	s2 =	sadd.s32 s19, s18  }
0x9c: {  	s6 =	simm.s32 $0x0;
	s20 =	sshll.u32 s4, $0x1;
	s4 =	sadd.s32 s21, s2  }
0x9d: {  	[timem:s6], [sflag:s22] =	dma.local [hbm:s4], s20  }
0x9e: {  	_ =	swait.ge [sflag:s22], s20  }
0x9f: {  	s3 =	ssub.s32 $0x0, s20;
	[sflag:s22] =	ssyncset.done $0x0  }
0xa0: {  	[sflag:s22] =	ssyncadd.s32 s3;
	_ =	sdelay $0x1  }
0xa1: {  	s23 =	simm.s32 $0x1B8B  }
0xa2: {  	_ =	swait.ge [sflag:s23], $0x1  }
0xa3: {  	[sflag:s23] =	ssyncset.done $0x0  }
0xa4: {  	s25 =	simm.s32 $0x1B8E;
	s24 =	sld [smem:$0x3FFE];
	[sflag:s23] =	ssyncadd.s32 $0xFFFFFFFF  }
0xa5: {  	s26 =	simm.s32 $execute0_lowered;
	[smem:$0x3FD2] =	sst s25  }
0xa6: {  	s4 =	sshll.u32 s26, $0x1;
	_ =	strace $0x80000046;
	[dreg:$0x1] =	wrdreg $0xFFFFFFFF  }
0xa7: {  	s28 =	simm.s32 $_size_execute0_lowered;
	s2 =	sadd.s32 s2, s4;
	[dreg:$0x0] =	wrdreg $0x0  }
0xa8: {  	s4 =	sshll.u32 s28, $0x1;
	[dreg:$0x2] =	wrdreg s2  }
0xa9: {  	[dreg:$0x3] =	wrdreg s4  }
0xaa: {  	[dreg:$0x4] =	wrdreg $0xC0  }
0xab: {  	_ =	task [dreg:s6], $0x5FFFF  }
0xac: {  	[dreg:$0x1] =	wrdreg $0xFFFFFFFF  }
0xad: {  	[dreg:$0x0] =	wrdreg $0x60  }
0xae: {  	[dreg:$0x2] =	wrdreg s24  }
0xaf: {  	[dreg:$0x3] =	wrdreg $0x1A800  }
0xb0: {  	[dreg:$0x4] =	wrdreg $0x9  }
0xb1: {  	_ =	task.clear_ibuf [dreg:s6], $0x5FFFF;
	_ =	strace $0x90000046  }
0xb2: {  	s29 =	simm.s32 $0x9;
	_ =	strace $0x80000048  }
0xb3: {  	_ =	swait.ge [sflag:s29], $0x1  }
0xb4: {  	[sflag:s29] =	ssyncadd.s32 $0xFFFFFFFF  }
0xb5: {  	_ =	strace $0x90000048  }
0xb6: {  	_ =	sfence  }
0xb7: {  	s30 =	sld [smem:$0x0];
	_ =	sdelay $0x2  }
0xb8: {  	s31 =	sshll.u32 s1, $0xD;
	s1 =	sshrl.u32 s1, $0x2  }
0xb9: {  	s3 =	sand.u32 $0x4000, s31;
	s1 =	sadd.s32 s1, s30  }
0xba: {  	s0 =	sor.u32 s3, s0;
	s1 =	sshll.u32 s1, $0x11  }
0xbb: {  	s0 =	sor.u32 s1, s0  }
0xbc: {  	s0 =	sadd.s32 $0x8F2B, s0  }
0xbd: {  	[sflag:s0] =	ssyncadd.remote.s32 $0x1  }
0xbe: {  	_ =	sfence.sel $0xFFFF  }
0xbf: {  	[dreg:$0x0] =	wrdreg $0xFFFFFFFF;
	(pc) =	sbr.abs _section_cstart, $3  }
0xc0: {  	[dreg:$0x1] =	wrdreg $0xFFFFFFFF  }
0xc1: {  	_ =	task.clear_ibuf [dreg:s6], $0x2FFFF;
	_ =	strace $0x9FFFFFFF  }
0xc2: {  	(tm) =	ssettm $0x7FFFFFFF  }
0xc3: {  	_ =	shalt  }
tec
execute0_lowered:
.L_overlay_start_1:
0x0: {  	(tag) =	ssettag $0x1  }
0x1: {  	s4 =	rddreg [dreg:$0x0]  }
0x2: {  	s2 =	rddreg [dreg:$0x1];
	s3 =	srdreg.scid  }
0x3: {  	s0 =	rddreg [dreg:$0x2];
	s1 =	stileid.u32  }
0x4: {  	s18 =	simm.s32 $0x3;
	s19 =	simm.s32 $0x7D0;
	s20 =	simm.s32 $0xFA0  }
0x5: {  	s21 =	simm.s32 $0x1;
	s22 =	simm.s32 $0x2;
	s23 =	simm.s32 $0x0  }
0x6: {  	s6 =	sand.u32 $0x1, s3;
	s3 =	simm.s32 $0x0;
	s5 =	smul.u32 $0x1880, s1  }
0x7: {  	s16 =	sadd.s32 $0x1C00, s4;
	s15 =	smul.u32 $0xC350, s1;
	s7 =	sshll.u32 s6, $0x4  }
0x8: {  	[smem:$0x7FF] =	sst s3;
	s8 =	smul.u32 $0x18800, s6;
	s9 =	ssub.s32 $0x2, s6  }
0x9: {  	s14 =	smul.u32 $0xC3500, s6;
	s7 =	sor.u32 s1, s7;
	_ =	strace $0x80000047  }
0xa: {  	s10 =	sshrl.u32 s9, $0x1;
	s7 =	smul.u32 $0xC350, s7;
	s8 =	sadd.s32 s5, s8  }
0xb: {  	s13 =	ssub.s32 s9, s10;
	s14 =	sadd.s32 s15, s14;
	s8 =	sshrl.u32 s8, $0x3  }
0xc: {  	s13 =	smax.u32 s13, $0x1;
	s15 =	sadd.s32 $0x1879A0, s14;
	s17 =	sadd.s32 $0x1871D0, s14  }
0xd: {  	s7 =	sshrl.u32 s7, $0x3;
	s8 =	sadd.s32 s8, s4;
	s4 =	sadd.s32 s5, s2  }
0xe: {  	s15 =	sshrl.u32 s15, $0x3;
	s17 =	sshrl.u32 s17, $0x3;
	s7 =	sadd.s32 s16, s7  }
0xf: {  	s6 =	sadd.s32 $0x63800, s8;
	s8 =	sadd.s32 $0x620, s4;
	s9 =	sadd.s32 $0x930, s4  }
0x10: {  	s10 =	sadd.s32 $0xC40, s4;
	s11 =	sadd.s32 $0xF50, s4;
	s12 =	sadd.s32 $0x1260, s4  }
0x11: {  	s14 =	sadd.s32 $0x1570, s4;
	s15 =	sadd.s32 s15, s16;
	s16 =	sadd.s32 s17, s16  }
0x12: {  	v0 =	vimm.f32 $1.000000000e+00;
	v1 =	vimm.f32 $0.0e+00;
	s17 =	simm.s32 $0x1770;
	s5 =	sadd.s32 $0x30D40, s7;
	s7 =	sadd.s32 $0x310, s4  }
.LBB2_1:
0x13: {  	s24 =	simm.s32 $0x40;
	s25 =	simm.s32 $0x0  }
.LBB2_2:
0x14: {  	p0 =	sne.s32 s24, $0x1F00;
	[tilespmem:s25+$0xFA0] =	vst v0;
	s25 =	smov.u32 s24;
	s24 =	sadd.s32 $0x40, s24  }
.Ltmp0:
0x15: {  	(pc) =	sbr.rel @p0 .LBB2_2-.Ltmp0, $2  }
0x16: {  	_ =	sdelay $0x2  }
0x17: {  	s25 =	sshra.s32 s25, $0x2  }
0x18: {  	[tilespmem:s25+$0xFA0] =	vst v0  }
0x19: {  	[tilespmem:$0x1770] =	vst v1  }
0x1a: {  	[tilespmem:$0x1780] =	vst v1  }
0x1b: {  	[tilespmem:$0x1790] =	vst v1  }
0x1c: {  	[tilespmem:$0x17A0] =	vst v1  }
0x1d: {  	[tilespmem:$0x17B0] =	vst v1  }
0x1e: {  	[tilespmem:$0x17C0] =	vst v1  }
0x1f: {  	[tilespmem:$0x17D0] =	vst v1  }
0x20: {  	[tilespmem:$0x17E0] =	vst v1  }
0x21: {  	[tilespmem:$0x17F0] =	vst v1  }
0x22: {  	[tilespmem:$0x1800] =	vst v1  }
0x23: {  	[tilespmem:$0x1810] =	vst v1  }
0x24: {  	[tilespmem:$0x1820] =	vst v1  }
0x25: {  	[tilespmem:$0x1830] =	vst v1  }
0x26: {  	[tilespmem:$0x1840] =	vst v1  }
0x27: {  	[tilespmem:$0x1850] =	vst v1  }
0x28: {  	[tilespmem:$0x1860] =	vst v1  }
0x29: {  	[tilespmem:$0x1870] =	vst v1  }
0x2a: {  	[tilespmem:$0x1880] =	vst v1  }
0x2b: {  	[tilespmem:$0x1890] =	vst v1  }
0x2c: {  	[tilespmem:$0x18A0] =	vst v1  }
0x2d: {  	[tilespmem:$0x18B0] =	vst v1  }
0x2e: {  	[tilespmem:$0x18C0] =	vst v1  }
0x2f: {  	[tilespmem:$0x18D0] =	vst v1  }
0x30: {  	[tilespmem:$0x18E0] =	vst v1  }
0x31: {  	[tilespmem:$0x18F0] =	vst v1  }
0x32: {  	[tilespmem:$0x1900] =	vst v1  }
0x33: {  	[tilespmem:$0x1910] =	vst v1  }
0x34: {  	[tilespmem:$0x1920] =	vst v1  }
0x35: {  	[tilespmem:$0x1930] =	vst v1  }
0x36: {  	[tilespmem:$0x1940] =	vst v1  }
0x37: {  	[tilespmem:$0x1950] =	vst v1  }
0x38: {  	[tilespmem:$0x1960] =	vst v1  }
0x39: {  	[tilespmem:$0x1970] =	vst v1  }
0x3a: {  	[tilespmem:$0x1980] =	vst v1  }
0x3b: {  	[tilespmem:$0x1990] =	vst v1  }
0x3c: {  	[tilespmem:$0x19A0] =	vst v1  }
0x3d: {  	[tilespmem:$0x19B0] =	vst v1  }
0x3e: {  	[tilespmem:$0x19C0] =	vst v1  }
0x3f: {  	[tilespmem:$0x19D0] =	vst v1  }
0x40: {  	[tilespmem:$0x19E0] =	vst v1  }
0x41: {  	[tilespmem:$0x19F0] =	vst v1  }
0x42: {  	[tilespmem:$0x1A00] =	vst v1  }
0x43: {  	[tilespmem:$0x1A10] =	vst v1  }
0x44: {  	[tilespmem:$0x1A20] =	vst v1  }
0x45: {  	[tilespmem:$0x1A30] =	vst v1  }
0x46: {  	[tilespmem:$0x1A40] =	vst v1  }
0x47: {  	[tilespmem:$0x1A50] =	vst v1  }
0x48: {  	[tilespmem:$0x1A60] =	vst v1  }
0x49: {  	[tilespmem:$0x1A70] =	vst v1  }
0x4a: {  	[spmem:s4] =	stream.linear.scatter [tilespmem:s17], [sflag:$0x3], $0x310, $0x38;
	[tilespmem:$0x3300] =	vst v63  }
0x4b: {  	_ =	swait.ge [sflag:s18], $0x310  }
0x4c: {  	[sflag:s18] =	ssyncset.done $0x0  }
0x4d: {  	[sflag:s18] =	ssyncadd.s32 $0xFFFFFCF0  }
0x4e: {  	[spmem:s7] =	stream.linear.scatter [tilespmem:s17], [sflag:$0x3], $0x310, $0x38;
	[tilespmem:$0x3300] =	vst v63  }
0x4f: {  	_ =	swait.ge [sflag:s18], $0x310  }
0x50: {  	[sflag:s18] =	ssyncset.done $0x0  }
0x51: {  	[sflag:s18] =	ssyncadd.s32 $0xFFFFFCF0  }
0x52: {  	[spmem:s8] =	stream.linear.scatter [tilespmem:s17], [sflag:$0x3], $0x310, $0x38;
	[tilespmem:$0x3300] =	vst v63  }
0x53: {  	_ =	swait.ge [sflag:s18], $0x310  }
0x54: {  	[sflag:s18] =	ssyncset.done $0x0  }
0x55: {  	[sflag:s18] =	ssyncadd.s32 $0xFFFFFCF0  }
0x56: {  	[spmem:s9] =	stream.linear.scatter [tilespmem:s17], [sflag:$0x3], $0x310, $0x38;
	[tilespmem:$0x3300] =	vst v63  }
0x57: {  	_ =	swait.ge [sflag:s18], $0x310  }
0x58: {  	[sflag:s18] =	ssyncset.done $0x0  }
0x59: {  	[sflag:s18] =	ssyncadd.s32 $0xFFFFFCF0  }
0x5a: {  	[spmem:s10] =	stream.linear.scatter [tilespmem:s17], [sflag:$0x3], $0x310, $0x38;
	[tilespmem:$0x3300] =	vst v63  }
0x5b: {  	_ =	swait.ge [sflag:s18], $0x310  }
0x5c: {  	[sflag:s18] =	ssyncset.done $0x0  }
0x5d: {  	[sflag:s18] =	ssyncadd.s32 $0xFFFFFCF0  }
0x5e: {  	[spmem:s11] =	stream.linear.scatter [tilespmem:s17], [sflag:$0x3], $0x310, $0x38;
	[tilespmem:$0x3300] =	vst v63  }
0x5f: {  	_ =	swait.ge [sflag:s18], $0x310  }
0x60: {  	[sflag:s18] =	ssyncset.done $0x0  }
0x61: {  	[sflag:s18] =	ssyncadd.s32 $0xFFFFFCF0  }
0x62: {  	[spmem:s12] =	stream.linear.scatter [tilespmem:s17], [sflag:$0x3], $0x310, $0x38;
	[tilespmem:$0x3300] =	vst v63  }
0x63: {  	_ =	swait.ge [sflag:s18], $0x310  }
0x64: {  	[sflag:s18] =	ssyncset.done $0x0  }
0x65: {  	[sflag:s18] =	ssyncadd.s32 $0xFFFFFCF0  }
0x66: {  	[spmem:s14] =	stream.linear.scatter [tilespmem:s17], [sflag:$0x3], $0x310, $0x38;
	[tilespmem:$0x3300] =	vst v63  }
0x67: {  	_ =	swait.ge [sflag:s18], $0x310  }
0x68: {  	[sflag:s18] =	ssyncset.done $0x0  }
0x69: {  	[sflag:s18] =	ssyncadd.s32 $0xFFFFFCF0  }
0x6a: {  	s24 =	simm.s32 $0x0;
	[bflag:$0x0] =	sbarrier.arrive $0xFFFF  }
0x6b: {  	[tilespmem:s24], [sflag:$0x3] =	stream.linear.gather [hbm4b:s5+s24], $0x7D0, $0x38;
	[tilespmem:$0x3300] =	vst v63  }
0x6c: {  	_ =	swait.ge [sflag:s18], $0x7D0  }
0x6d: {  	[sflag:s18] =	ssyncset.done $0x0  }
0x6e: {  	s30 =	sadd.s32 $0x0, s16;
	[sflag:s18] =	ssyncadd.s32 $0xFFFFF830  }
0x6f: {  	[tilespmem:s19], [sflag:$0x3] =	stream.linear.gather [hbm4b:s30+s3], $0x7D0, $0x38;
	[tilespmem:$0x3300] =	vst v63  }
0x70: {  	_ =	swait.ge [sflag:s18], $0x7D0  }
0x71: {  	[sflag:s18] =	ssyncset.done $0x0  }
0x72: {  	[sflag:s18] =	ssyncadd.s32 $0xFFFFF830  }
0x73: {  	[spmem:s2] =	stream.indirect.scatter.add.f32 [tilespmem:s20], [sflag:$0x1], $0x1, s3, s19, $0xb8;
	[tilespmem:$0x3300] =	vst v63  }
0x74: {  	_ =	swait.ge [sflag:s21], $0x7D0  }
0x75: {  	[sflag:s21] =	ssyncset.done $0x0  }
0x76: {  	s31 =	sadd.s32 $0x0, s15;
	[sflag:s21] =	ssyncadd.s32 $0xFFFFF830  }
0x77: {  	[tilespmem:s3], [sflag:$0x3] =	stream.linear.gather [hbm4b:s31+s3], $0x7D0, $0x38;
	[tilespmem:$0x3300] =	vst v63  }
0x78: {  	_ =	swait.ge [sflag:s18], $0x7D0  }
0x79: {  	[sflag:s18] =	ssyncset.done $0x0  }
0x7a: {  	[sflag:s18] =	ssyncadd.s32 $0xFFFFF830  }
0x7b: {  	[spmem:s2] =	stream.indirect.scatter.add.f32 [tilespmem:s20], [sflag:$0x2], $0x1, s19, s19, $0xb8;
	[tilespmem:$0x3300] =	vst v63  }
0x7c: {  	_ =	swait.ge [sflag:s22], $0x7D0  }
0x7d: {  	s25 =	simm.s32 $0x3E8;
	s24 =	simm.s32 $0x1F4;
	[sflag:s22] =	ssyncset.done $0x0  }
.LBB2_4:
0x7e: {  	s26 =	sadd.s32 s24, s16  }
0x7f: {  	[sflag:s22] =	ssyncadd.s32 $0xFFFFF830;
	s28 =	smov.u32 s25;
	s29 =	sadd.s32 $0x1F4, s25  }
0x80: {  	[tilespmem:s19], [sflag:$0x3] =	stream.linear.gather [hbm4b:s26+s3], $0x7D0, $0x38;
	[tilespmem:$0x3300] =	vst v63  }
0x81: {  	p0 =	sne.s32 s25, $0x157C;
	_ =	swait.ge [sflag:s18], $0x7D0  }
0x82: {  	[sflag:s18] =	ssyncset.done $0x0  }
0x83: {  	[sflag:s18] =	ssyncadd.s32 $0xFFFFF830  }
0x84: {  	[spmem:s2] =	stream.indirect.scatter.add.f32 [tilespmem:s20], [sflag:$0x1], $0x1, s3, s19, $0xb8;
	[tilespmem:$0x3300] =	vst v63  }
0x85: {  	_ =	swait.ge [sflag:s21], $0x7D0  }
0x86: {  	[sflag:s21] =	ssyncset.done $0x0  }
0x87: {  	s25 =	sadd.s32 s24, s15;
	s24 =	smov.u32 s28;
	[sflag:s21] =	ssyncadd.s32 $0xFFFFF830  }
0x88: {  	[tilespmem:s3], [sflag:$0x3] =	stream.linear.gather [hbm4b:s25+s3], $0x7D0, $0x38;
	[tilespmem:$0x3300] =	vst v63  }
0x89: {  	_ =	swait.ge [sflag:s18], $0x7D0  }
.Ltmp1:
0x8a: {  	[sflag:s18] =	ssyncset.done $0x0;
	(pc) =	sbr.rel @p0 .LBB2_4-.Ltmp1, $4  }
0x8b: {  	[sflag:s18] =	ssyncadd.s32 $0xFFFFF830  }
0x8c: {  	[spmem:s2] =	stream.indirect.scatter.add.f32 [tilespmem:s20], [sflag:$0x2], $0x1, s19, s19, $0xb8;
	[tilespmem:$0x3300] =	vst v63  }
0x8d: {  	_ =	swait.ge [sflag:s22], $0x7D0  }
0x8e: {  	s25 =	smov.u32 s29;
	[sflag:s22] =	ssyncset.done $0x0  }
0x8f: {  	s25 =	sadd.s32 s24, s16;
	[sflag:s22] =	ssyncadd.s32 $0xFFFFF830  }
0x90: {  	[tilespmem:s19], [sflag:$0x3] =	stream.linear.gather [hbm4b:s25+s3], $0x7D0, $0x38;
	[tilespmem:$0x3300] =	vst v63  }
0x91: {  	_ =	swait.ge [sflag:s18], $0x7D0  }
0x92: {  	[sflag:s18] =	ssyncset.done $0x0  }
0x93: {  	[sflag:s18] =	ssyncadd.s32 $0xFFFFF830  }
0x94: {  	[spmem:s2] =	stream.indirect.scatter.add.f32 [tilespmem:s20], [sflag:$0x1], $0x1, s3, s19, $0xb8;
	[tilespmem:$0x3300] =	vst v63  }
0x95: {  	_ =	swait.ge [sflag:s21], $0x7D0  }
0x96: {  	[sflag:s21] =	ssyncset.done $0x0  }
0x97: {  	s29 =	sadd.s32 s24, s15;
	[sflag:s21] =	ssyncadd.s32 $0xFFFFF830  }
0x98: {  	[tilespmem:s3], [sflag:$0x3] =	stream.linear.gather [hbm4b:s29+s3], $0x7D0, $0x38;
	[tilespmem:$0x3300] =	vst v63  }
0x99: {  	_ =	swait.ge [sflag:s18], $0x7D0  }
0x9a: {  	[sflag:s18] =	ssyncset.done $0x0  }
0x9b: {  	[sflag:s18] =	ssyncadd.s32 $0xFFFFF830  }
0x9c: {  	[spmem:s2] =	stream.indirect.scatter.add.f32 [tilespmem:s20], [sflag:$0x2], $0x1, s19, s19, $0xb8;
	[tilespmem:$0x3300] =	vst v63  }
0x9d: {  	_ =	swait.ge [sflag:s22], $0x7D0  }
0x9e: {  	[sflag:s22] =	ssyncset.done $0x0  }
0x9f: {  	[sflag:s22] =	ssyncadd.s32 $0xFFFFF830  }
0xa0: {  	[spmem:s2] =	stream.indirect.scatter.add.f32 [tilespmem:s20], [sflag:$0x1], $0x1, s3, s19, $0xb8;
	[tilespmem:$0x3300] =	vst v63  }
0xa1: {  	_ =	swait.ge [sflag:s21], $0x7D0  }
0xa2: {  	s30 =	sshll.u32 s1, $0x6;
	s23 =	sadd.s32 $0x1, s23;
	[sflag:s21] =	ssyncset.done $0x0  }
0xa3: {  	s31 =	sshrl.u32 s4, $0x3;
	p0 =	sne.s32 s23, s13;
	[sflag:s21] =	ssyncadd.s32 $0xFFFFF830  }
.Ltmp2:
0xa4: {  	s24 =	sor.u32 $0x1C03, s30;
	[bflag:$0x0] =	sbarrier.arrive $0xFFFF;
	(pc) =	sbr.rel @p0 .LBB2_1-.Ltmp2, $4  }
0xa5: {  	[hbm:s6], [sflag:s24] =	dma.local [spmem:s31], $0x310  }
0xa6: {  	_ =	swait.ge [sflag:s18], $0x310  }
0xa7: {  	[sflag:s18] =	ssyncset.done $0x0  }
0xa8: {  	[sflag:s18] =	ssyncadd.s32 $0xFFFFFCF0  }
0xa9: {  	_ =	sfence.sel $0x180000  }
0xaa: {  	[bflag:$0x0] =	sbarrier.arrive $0xFFFF  }
0xab: {  	p0 =	sne.s32 s1, $0x0;
	_ =	strace $0x90000047  }
0xac: {  	s0 =	sadd.s32 @!p0 $0x100000, s0;
	[bflag:$0x2] =	sbarrier.arrive $0xFFFF  }
0xad: {  	[sflag:s0] =	ssyncadd.tile.s32 @!p0 $0x1;
	_ =	shalt  }
.Lfunc_end2:
_tile_overlayer_lowered:
.L_overlay_start_2:
0xae: {  	(tag) =	ssettag $0x2  }
0xaf: {  	s0 =	rddreg [dreg:$0x0];
	s2 =	stileid.u32  }
0xb0: {  	s1 =	rddreg [dreg:$0x1];
	p0 =	sne.s32 s2, $0x0  }
0xb1: {  	s3 =	rddreg [dreg:$0x2];
	[bflag:$0x3] =	sbarrier.arrive $0xFFFF;
	s2 =	simm.s32 @!p0 $0x1C03  }
0xb2: {  	[timem:s3], [sflag:s2] =	dma.local @!p0 [hbm:s0], s1  }
0xb3: {  	s0 =	simm.s32 @!p0 $0x3  }
0xb4: {  	_ =	swait.ge @!p0 [sflag:s0], s1  }
0xb5: {  	s1 =	ssub.s32 @!p0 $0x0, s1;
	[sflag:s0] =	ssyncset.done @!p0 $0x0  }
0xb6: {  	[sflag:s0] =	ssyncadd.s32 @!p0 s1  }
0xb7: {  	[bflag:$0x3] =	sbarrier.arrive $0xFFFF  }
0xb8: {  	_ =	shalt  }

</sc_bundles>
